<compile_context>
chip_gen: v7x
topology: tpu7x:2x2x1
jax: 0.10.2.dev20260603
libtpu: 0.0.44.dev20260713+nightly
codegen_flags: <defaults>
</compile_context>

<pallas_src>
import functools

import jax
import jax.numpy as jnp
from jax import lax
from jax.experimental import pallas as pl
from jax.experimental.pallas import tpu as pltpu
from jax.experimental.pallas import tpu_sc as plsc

_NC = 2
_NS = 16
_NW = _NC * _NS

_K = 128
_DW = 128
_CH = 128


def _sc_degree(dst2d, zeros_hbm, ones_hbm, n_acc, nb):
    rows_pt = n_acc // _NS
    nchunk = rows_pt // _CH
    mesh = plsc.VectorSubcoreMesh(core_axis_name="c", subcore_axis_name="s")

    @functools.partial(
        pl.kernel,
        out_type=jax.ShapeDtypeStruct((_NC, n_acc, _DW), jnp.float32),
        mesh=mesh,
        scratch_types=[
            pltpu.VMEM((nb, _K), jnp.int32),
            pltpu.VMEM((_K, _DW), jnp.float32),
            pltpu.VMEM((_CH, _DW), jnp.float32),
            pltpu.VMEM_SHARED((n_acc, _DW), jnp.float32),
        ],
    )
    def deg_kernel(dst_hbm, z_hbm, o_hbm, out_hbm, dst_v, ones_v, stage_v, dacc):
        c = lax.axis_index("c")
        s = lax.axis_index("s")
        wid = c * _NS + s
        base = s * rows_pt
        pltpu.sync_copy(z_hbm, stage_v)
        for j in range(nchunk):
            pltpu.sync_copy(stage_v, dacc.at[pl.ds(base + j * _CH, _CH)])
        pltpu.sync_copy(o_hbm, ones_v)
        pltpu.sync_copy(dst_hbm.at[pl.ds(wid * nb, nb)], dst_v)
        plsc.subcore_barrier()

        def body(j, carry):
            pltpu.sync_copy(ones_v, dacc.at[dst_v.at[j]], add=True)
            return carry

        lax.fori_loop(0, nb, body, 0)
        plsc.subcore_barrier()
        for j in range(nchunk):
            pltpu.sync_copy(dacc.at[pl.ds(base + j * _CH, _CH)], stage_v)
            pltpu.sync_copy(stage_v, out_hbm.at[c, pl.ds(base + j * _CH, _CH)])

    return deg_kernel(dst2d, zeros_hbm, ones_hbm)


def _sc_aggregate(h2, src2d, dst2d, zeros_hbm, n_acc, nb, d):
    rows_pt = n_acc // _NS
    nchunk = rows_pt // _CH
    mesh = plsc.VectorSubcoreMesh(core_axis_name="c", subcore_axis_name="s")

    nph = nb // 2

    @functools.partial(
        pl.kernel,
        out_type=jax.ShapeDtypeStruct((_NC, n_acc, d), jnp.float32),
        mesh=mesh,
        scratch_types=[
            pltpu.VMEM((nph, _K), jnp.int32),
            pltpu.VMEM((nph, _K), jnp.int32),
            pltpu.VMEM((_K, d), jnp.float32),
            pltpu.VMEM((_K, d), jnp.float32),
            pltpu.VMEM_SHARED((n_acc, d), jnp.float32),
            pltpu.SemaphoreType.DMA,
            pltpu.SemaphoreType.DMA,
        ],
    )
    def agg_kernel(h2_hbm, src_hbm, dst_hbm, z_hbm, out_hbm,
                   src_v, dst_v, rows_a, rows_b, acc, sem_a, sem_b):
        c = lax.axis_index("c")
        s = lax.axis_index("s")
        wid = c * _NS + s
        base = s * rows_pt
        pltpu.sync_copy(z_hbm, rows_a)
        for j in range(nchunk):
            pltpu.sync_copy(rows_a, acc.at[pl.ds(base + j * _CH, _CH)])
        plsc.subcore_barrier()

        half = nph // 2
        for ph in range(2):
            pltpu.sync_copy(src_hbm.at[pl.ds(wid * nb + ph * nph, nph)], src_v)
            pltpu.sync_copy(dst_hbm.at[pl.ds(wid * nb + ph * nph, nph)], dst_v)
            pltpu.async_copy(h2_hbm.at[src_v.at[0]], rows_a, sem_a)

            def body(j, carry):
                b = 2 * j
                pltpu.async_copy(h2_hbm.at[src_v.at[b + 1]], rows_b, sem_b)
                pltpu.make_async_copy(h2_hbm.at[src_v.at[b]], rows_a, sem_a).wait()
                pltpu.sync_copy(rows_a, acc.at[dst_v.at[b]], add=True)

                @pl.when(j < half - 1)
                def _():
                    pltpu.async_copy(h2_hbm.at[src_v.at[b + 2]], rows_a, sem_a)

                pltpu.make_async_copy(h2_hbm.at[src_v.at[b + 1]], rows_b, sem_b).wait()
                pltpu.sync_copy(rows_b, acc.at[dst_v.at[b + 1]], add=True)
                return carry

            lax.fori_loop(0, half, body, 0)
        plsc.subcore_barrier()
        for j in range(nchunk):
            pltpu.sync_copy(acc.at[pl.ds(base + j * _CH, _CH)], rows_a)
            pltpu.sync_copy(rows_a, out_hbm.at[c, pl.ds(base + j * _CH, _CH)])

    return agg_kernel(h2, src2d, dst2d, zeros_hbm)


def _tc_h2(x_pad, W, deg_part, n_acc, d, br):
    grid = n_acc // br

    def body(x_ref, w_ref, dp_ref, h2_ref):
        deg = dp_ref[0, :, 0:1] + dp_ref[1, :, 0:1] + 1.0
        dis = lax.rsqrt(deg)
        h = jnp.dot(x_ref[...], w_ref[...], preferred_element_type=jnp.float32)
        h2_ref[...] = h * dis

    return pl.pallas_call(
        body,
        grid=(grid,),
        in_specs=[
            pl.BlockSpec((br, d), lambda i: (i, 0)),
            pl.BlockSpec((d, d), lambda i: (0, 0)),
            pl.BlockSpec((_NC, br, _DW), lambda i: (0, i, 0)),
        ],
        out_specs=pl.BlockSpec((br, d), lambda i: (i, 0)),
        out_shape=jax.ShapeDtypeStruct((n_acc, d), jnp.float32),
    )(x_pad, W, deg_part)


def _tc_combine(agg_part, h2, deg_part, b2, n_acc, d, br):
    grid = n_acc // br

    def body(a_ref, h2_ref, dp_ref, b_ref, o_ref):
        deg = dp_ref[0, :, 0:1] + dp_ref[1, :, 0:1] + 1.0
        dis = lax.rsqrt(deg)
        t = (a_ref[0] + a_ref[1] + h2_ref[...]) * dis + b_ref[...]
        o_ref[...] = jnp.maximum(t, 0.0)

    return pl.pallas_call(
        body,
        grid=(grid,),
        in_specs=[
            pl.BlockSpec((_NC, br, d), lambda i: (0, i, 0)),
            pl.BlockSpec((br, d), lambda i: (i, 0)),
            pl.BlockSpec((_NC, br, _DW), lambda i: (0, i, 0)),
            pl.BlockSpec((1, d), lambda i: (0, 0)),
        ],
        out_specs=pl.BlockSpec((br, d), lambda i: (i, 0)),
        out_shape=jax.ShapeDtypeStruct((n_acc, d), jnp.float32),
    )(agg_part, h2, deg_part, b2)


@jax.jit
def kernel(x, edge_index, W, b):
    n, d = x.shape
    e = edge_index.shape[1]

    nb = -(-(-(-e // (_NW * _K))) // 8) * 8
    e_pad = _NW * nb * _K
    n_acc = -(-(n + 1) // (_NS * _CH)) * (_NS * _CH)
    br = 512

    src = edge_index[0].astype(jnp.int32)
    dst = edge_index[1].astype(jnp.int32)
    pad = e_pad - e
    src2d = jnp.concatenate([src, jnp.zeros((pad,), jnp.int32)]).reshape(_NW * nb, _K)
    dst2d = jnp.concatenate([dst, jnp.full((pad,), n, jnp.int32)]).reshape(_NW * nb, _K)
    x_pad = jnp.pad(x, ((0, n_acc - n), (0, 0)))
    zeros_d = jnp.zeros((_CH, d), jnp.float32)
    zeros_w = jnp.zeros((_CH, _DW), jnp.float32)
    ones_w = jnp.ones((_K, _DW), jnp.float32)
    b2 = b.reshape(1, d).astype(jnp.float32)

    deg_part = _sc_degree(dst2d, zeros_w, ones_w, n_acc, nb)
    h2 = _tc_h2(x_pad, W, deg_part, n_acc, d, br)
    agg_part = _sc_aggregate(h2, src2d, dst2d, zeros_d, n_acc, nb, d)
    out = _tc_combine(agg_part, h2, deg_part, b2, n_acc, d, br)
    return out[:n]

# --- scband reference (transcript-rebuilt; emitter-appended) ---
"""Pipeline reference for scband-gcnblock-19576460935446 (READ-ONLY COPY).

The authoritative reference and input builder live on the scoring server;
editing this copy changes nothing except your own understanding.
"""

import jax, jax.numpy as jnp
import numpy as np

N_NODES = 10000
N_EDGES = 320000
D = 128


def setup_inputs(seed: int = 0) -> dict:
    key = jax.random.key(seed)
    k1, k2, k3, k4 = jax.random.split(key, 4)
    x = jax.random.normal(k1, (N_NODES, D), dtype=jnp.float32)
    edge_index = jax.random.randint(k2, (2, N_EDGES), 0, N_NODES, dtype=jnp.int64)
    # GCNConv linear weight [in, out] (glorot-ish) and bias
    W = jax.random.normal(k3, (D, D), dtype=jnp.float32) * (1.0 / np.sqrt(D))
    b = jnp.zeros((D,), dtype=jnp.float32)
    return {"x": x, "edge_index": edge_index, "W": W, "b": b}


def reference(x, edge_index, W, b):
    # GCNBlock forward: GCNConv(add_self_loops=True) -> relu -> dropout(eval: identity)
    N = x.shape[0]
    h = x @ W
    src = edge_index[0]
    dst = edge_index[1]
    # add self loops
    loop = jnp.arange(N, dtype=edge_index.dtype)
    src = jnp.concatenate([src, loop], axis=0)
    dst = jnp.concatenate([dst, loop], axis=0)
    # symmetric normalization D^{-1/2} A D^{-1/2} (degree computed at dst, edge weights = 1)
    ones = jnp.ones(src.shape[0], dtype=h.dtype)
    deg = jnp.zeros((N,), dtype=h.dtype).at[dst].add(ones)
    deg_inv_sqrt = jnp.where(deg > 0, deg ** -0.5, 0.0)
    norm = deg_inv_sqrt[src] * deg_inv_sqrt[dst]
    # message = norm * h[src], aggregate (scatter-add) at dst
    msg = h[src] * norm[:, None]
    out = jnp.zeros_like(h).at[dst].add(msg)
    out = out + b
    out = jax.nn.relu(out)
    # dropout is identity in eval / reference mode
    return out

if __name__ == "__main__":
    import jax
    _d = setup_inputs()
    print(jax.jit(kernel)(*tuple(_d.values())))

</pallas_src>

<mosaic_0001>
#map = affine_map<(d0, d1) -> (0, 0)>
#map1 = affine_map<(d0, d1) -> (0, 0, 0)>
module attributes {stable_mosaic.version = 14 : i64} {
  func.func @deg_kernel(%arg0: i32, %arg1: i32, %arg2: memref<2560x128xi32, #tpu.memory_space<hbm>>, %arg3: memref<128x128xf32, #tpu.memory_space<hbm>>, %arg4: memref<128x128xf32, #tpu.memory_space<hbm>>, %arg5: memref<2x10240x128xf32, #tpu.memory_space<hbm>>, %arg6: memref<80x128xi32, #tpu.memory_space<vmem>>, %arg7: memref<128x128xf32, #tpu.memory_space<vmem>>, %arg8: memref<128x128xf32, #tpu.memory_space<vmem>>, %arg9: memref<10240x128xf32, #tpu.memory_space<vmem_shared>>) attributes {dimension_semantics = [#tpu.dimension_semantics<core_parallel>, #tpu.dimension_semantics<subcore_parallel>], iteration_bounds = array<i64: 2, 16>, scalar_prefetch = 0 : i64, scratch_operands = 4 : i64, tpu.core_type = #tpu.core_type<sc_vector_subcore>, window_params = [{transform_indices = #map}, {transform_indices = #map}, {transform_indices = #map}, {transform_indices = #map1}]} {
    %mul3A = arith.constant 16 : i32
    %mul3A_0 = arith.muli %arg0, %mul3A : i32
    %add3A = arith.addi %mul3A_0, %arg1 : i32
    %mul3A_1 = arith.constant 640 : i32
    %mul3A_2 = arith.muli %arg1, %mul3A_1 : i32
    "tpu.region"() ({
      %run_scoped3A = tpu.sem_alloc : memref<!tpu.dma_semaphore, #tpu.memory_space<semaphore_mem>>
      tpu.enqueue_dma source(%arg3 : memref<128x128xf32, #tpu.memory_space<hbm>>) target(%arg8 : memref<128x128xf32, #tpu.memory_space<vmem>>) target_semaphore(%run_scoped3A : memref<!tpu.dma_semaphore, #tpu.memory_space<semaphore_mem>>)
      tpu.wait_dma2 semaphore(%run_scoped3A : memref<!tpu.dma_semaphore, #tpu.memory_space<semaphore_mem>>) src(%arg3 : memref<128x128xf32, #tpu.memory_space<hbm>>) dst(%arg8 : memref<128x128xf32, #tpu.memory_space<vmem>>)
      tpu.yield
    }) : () -> ()
    %add3A_3 = arith.constant 0 : i32
    %add3A_4 = arith.addi %mul3A_2, %add3A_3 : i32
    "tpu.region"() ({
      %run_scoped3A = tpu.sem_alloc : memref<!tpu.dma_semaphore, #tpu.memory_space<semaphore_mem>>
      %dma_start3A = arith.constant 0 : i32
      %dma_start3A_41 = tpu.memref_slice %arg9[%add3A_4, %dma_start3A] : memref<10240x128xf32, #tpu.memory_space<vmem_shared>> -> memref<128x128xf32, #tpu.memory_space<vmem_shared>>
      %dma_start3A_42 = arith.constant 0 : i32
      %dma_start3A_43 = tpu.memref_slice %arg9[%add3A_4, %dma_start3A_42] : memref<10240x128xf32, #tpu.memory_space<vmem_shared>> -> memref<128x128xf32, #tpu.memory_space<vmem_shared>>
      tpu.enqueue_dma source(%arg8 : memref<128x128xf32, #tpu.memory_space<vmem>>) target(%dma_start3A_43 : memref<128x128xf32, #tpu.memory_space<vmem_shared>>) target_semaphore(%run_scoped3A : memref<!tpu.dma_semaphore, #tpu.memory_space<semaphore_mem>>)
      %dma_wait3A = arith.constant 0 : i32
      %dma_wait3A_44 = tpu.memref_slice %arg9[%add3A_4, %dma_wait3A] : memref<10240x128xf32, #tpu.memory_space<vmem_shared>> -> memref<128x128xf32, #tpu.memory_space<vmem_shared>>
      %dma_wait3A_45 = arith.constant 0 : i32
      %dma_wait3A_46 = tpu.memref_slice %arg9[%add3A_4, %dma_wait3A_45] : memref<10240x128xf32, #tpu.memory_space<vmem_shared>> -> memref<128x128xf32, #tpu.memory_space<vmem_shared>>
      tpu.wait_dma2 semaphore(%run_scoped3A : memref<!tpu.dma_semaphore, #tpu.memory_space<semaphore_mem>>) src(%arg8 : memref<128x128xf32, #tpu.memory_space<vmem>>) dst(%dma_wait3A_46 : memref<128x128xf32, #tpu.memory_space<vmem_shared>>)
      tpu.yield
    }) : () -> ()
    %add3A_5 = arith.constant 128 : i32
    %add3A_6 = arith.addi %mul3A_2, %add3A_5 : i32
    "tpu.region"() ({
      %run_scoped3A = tpu.sem_alloc : memref<!tpu.dma_semaphore, #tpu.memory_space<semaphore_mem>>
      %dma_start3A = arith.constant 0 : i32
      %dma_start3A_41 = tpu.memref_slice %arg9[%add3A_6, %dma_start3A] : memref<10240x128xf32, #tpu.memory_space<vmem_shared>> -> memref<128x128xf32, #tpu.memory_space<vmem_shared>>
      %dma_start3A_42 = arith.constant 0 : i32
      %dma_start3A_43 = tpu.memref_slice %arg9[%add3A_6, %dma_start3A_42] : memref<10240x128xf32, #tpu.memory_space<vmem_shared>> -> memref<128x128xf32, #tpu.memory_space<vmem_shared>>
      tpu.enqueue_dma source(%arg8 : memref<128x128xf32, #tpu.memory_space<vmem>>) target(%dma_start3A_43 : memref<128x128xf32, #tpu.memory_space<vmem_shared>>) target_semaphore(%run_scoped3A : memref<!tpu.dma_semaphore, #tpu.memory_space<semaphore_mem>>)
      %dma_wait3A = arith.constant 0 : i32
      %dma_wait3A_44 = tpu.memref_slice %arg9[%add3A_6, %dma_wait3A] : memref<10240x128xf32, #tpu.memory_space<vmem_shared>> -> memref<128x128xf32, #tpu.memory_space<vmem_shared>>
      %dma_wait3A_45 = arith.constant 0 : i32
      %dma_wait3A_46 = tpu.memref_slice %arg9[%add3A_6, %dma_wait3A_45] : memref<10240x128xf32, #tpu.memory_space<vmem_shared>> -> memref<128x128xf32, #tpu.memory_space<vmem_shared>>
      tpu.wait_dma2 semaphore(%run_scoped3A : memref<!tpu.dma_semaphore, #tpu.memory_space<semaphore_mem>>) src(%arg8 : memref<128x128xf32, #tpu.memory_space<vmem>>) dst(%dma_wait3A_46 : memref<128x128xf32, #tpu.memory_space<vmem_shared>>)
      tpu.yield
    }) : () -> ()
    %add3A_7 = arith.constant 256 : i32
    %add3A_8 = arith.addi %mul3A_2, %add3A_7 : i32
    "tpu.region"() ({
      %run_scoped3A = tpu.sem_alloc : memref<!tpu.dma_semaphore, #tpu.memory_space<semaphore_mem>>
      %dma_start3A = arith.constant 0 : i32
      %dma_start3A_41 = tpu.memref_slice %arg9[%add3A_8, %dma_start3A] : memref<10240x128xf32, #tpu.memory_space<vmem_shared>> -> memref<128x128xf32, #tpu.memory_space<vmem_shared>>
      %dma_start3A_42 = arith.constant 0 : i32
      %dma_start3A_43 = tpu.memref_slice %arg9[%add3A_8, %dma_start3A_42] : memref<10240x128xf32, #tpu.memory_space<vmem_shared>> -> memref<128x128xf32, #tpu.memory_space<vmem_shared>>
      tpu.enqueue_dma source(%arg8 : memref<128x128xf32, #tpu.memory_space<vmem>>) target(%dma_start3A_43 : memref<128x128xf32, #tpu.memory_space<vmem_shared>>) target_semaphore(%run_scoped3A : memref<!tpu.dma_semaphore, #tpu.memory_space<semaphore_mem>>)
      %dma_wait3A = arith.constant 0 : i32
      %dma_wait3A_44 = tpu.memref_slice %arg9[%add3A_8, %dma_wait3A] : memref<10240x128xf32, #tpu.memory_space<vmem_shared>> -> memref<128x128xf32, #tpu.memory_space<vmem_shared>>
      %dma_wait3A_45 = arith.constant 0 : i32
      %dma_wait3A_46 = tpu.memref_slice %arg9[%add3A_8, %dma_wait3A_45] : memref<10240x128xf32, #tpu.memory_space<vmem_shared>> -> memref<128x128xf32, #tpu.memory_space<vmem_shared>>
      tpu.wait_dma2 semaphore(%run_scoped3A : memref<!tpu.dma_semaphore, #tpu.memory_space<semaphore_mem>>) src(%arg8 : memref<128x128xf32, #tpu.memory_space<vmem>>) dst(%dma_wait3A_46 : memref<128x128xf32, #tpu.memory_space<vmem_shared>>)
      tpu.yield
    }) : () -> ()
    %add3A_9 = arith.constant 384 : i32
    %add3A_10 = arith.addi %mul3A_2, %add3A_9 : i32
    "tpu.region"() ({
      %run_scoped3A = tpu.sem_alloc : memref<!tpu.dma_semaphore, #tpu.memory_space<semaphore_mem>>
      %dma_start3A = arith.constant 0 : i32
      %dma_start3A_41 = tpu.memref_slice %arg9[%add3A_10, %dma_start3A] : memref<10240x128xf32, #tpu.memory_space<vmem_shared>> -> memref<128x128xf32, #tpu.memory_space<vmem_shared>>
      %dma_start3A_42 = arith.constant 0 : i32
      %dma_start3A_43 = tpu.memref_slice %arg9[%add3A_10, %dma_start3A_42] : memref<10240x128xf32, #tpu.memory_space<vmem_shared>> -> memref<128x128xf32, #tpu.memory_space<vmem_shared>>
      tpu.enqueue_dma source(%arg8 : memref<128x128xf32, #tpu.memory_space<vmem>>) target(%dma_start3A_43 : memref<128x128xf32, #tpu.memory_space<vmem_shared>>) target_semaphore(%run_scoped3A : memref<!tpu.dma_semaphore, #tpu.memory_space<semaphore_mem>>)
      %dma_wait3A = arith.constant 0 : i32
      %dma_wait3A_44 = tpu.memref_slice %arg9[%add3A_10, %dma_wait3A] : memref<10240x128xf32, #tpu.memory_space<vmem_shared>> -> memref<128x128xf32, #tpu.memory_space<vmem_shared>>
      %dma_wait3A_45 = arith.constant 0 : i32
      %dma_wait3A_46 = tpu.memref_slice %arg9[%add3A_10, %dma_wait3A_45] : memref<10240x128xf32, #tpu.memory_space<vmem_shared>> -> memref<128x128xf32, #tpu.memory_space<vmem_shared>>
      tpu.wait_dma2 semaphore(%run_scoped3A : memref<!tpu.dma_semaphore, #tpu.memory_space<semaphore_mem>>) src(%arg8 : memref<128x128xf32, #tpu.memory_space<vmem>>) dst(%dma_wait3A_46 : memref<128x128xf32, #tpu.memory_space<vmem_shared>>)
      tpu.yield
    }) : () -> ()
    %add3A_11 = arith.constant 512 : i32
    %add3A_12 = arith.addi %mul3A_2, %add3A_11 : i32
    "tpu.region"() ({
      %run_scoped3A = tpu.sem_alloc : memref<!tpu.dma_semaphore, #tpu.memory_space<semaphore_mem>>
      %dma_start3A = arith.constant 0 : i32
      %dma_start3A_41 = tpu.memref_slice %arg9[%add3A_12, %dma_start3A] : memref<10240x128xf32, #tpu.memory_space<vmem_shared>> -> memref<128x128xf32, #tpu.memory_space<vmem_shared>>
      %dma_start3A_42 = arith.constant 0 : i32
      %dma_start3A_43 = tpu.memref_slice %arg9[%add3A_12, %dma_start3A_42] : memref<10240x128xf32, #tpu.memory_space<vmem_shared>> -> memref<128x128xf32, #tpu.memory_space<vmem_shared>>
      tpu.enqueue_dma source(%arg8 : memref<128x128xf32, #tpu.memory_space<vmem>>) target(%dma_start3A_43 : memref<128x128xf32, #tpu.memory_space<vmem_shared>>) target_semaphore(%run_scoped3A : memref<!tpu.dma_semaphore, #tpu.memory_space<semaphore_mem>>)
      %dma_wait3A = arith.constant 0 : i32
      %dma_wait3A_44 = tpu.memref_slice %arg9[%add3A_12, %dma_wait3A] : memref<10240x128xf32, #tpu.memory_space<vmem_shared>> -> memref<128x128xf32, #tpu.memory_space<vmem_shared>>
      %dma_wait3A_45 = arith.constant 0 : i32
      %dma_wait3A_46 = tpu.memref_slice %arg9[%add3A_12, %dma_wait3A_45] : memref<10240x128xf32, #tpu.memory_space<vmem_shared>> -> memref<128x128xf32, #tpu.memory_space<vmem_shared>>
      tpu.wait_dma2 semaphore(%run_scoped3A : memref<!tpu.dma_semaphore, #tpu.memory_space<semaphore_mem>>) src(%arg8 : memref<128x128xf32, #tpu.memory_space<vmem>>) dst(%dma_wait3A_46 : memref<128x128xf32, #tpu.memory_space<vmem_shared>>)
      tpu.yield
    }) : () -> ()
    "tpu.region"() ({
      %run_scoped3A = tpu.sem_alloc : memref<!tpu.dma_semaphore, #tpu.memory_space<semaphore_mem>>
      tpu.enqueue_dma source(%arg4 : memref<128x128xf32, #tpu.memory_space<hbm>>) target(%arg7 : memref<128x128xf32, #tpu.memory_space<vmem>>) target_semaphore(%run_scoped3A : memref<!tpu.dma_semaphore, #tpu.memory_space<semaphore_mem>>)
      tpu.wait_dma2 semaphore(%run_scoped3A : memref<!tpu.dma_semaphore, #tpu.memory_space<semaphore_mem>>) src(%arg4 : memref<128x128xf32, #tpu.memory_space<hbm>>) dst(%arg7 : memref<128x128xf32, #tpu.memory_space<vmem>>)
      tpu.yield
    }) : () -> ()
    %mul3A_13 = arith.constant 80 : i32
    %mul3A_14 = arith.muli %add3A, %mul3A_13 : i32
    "tpu.region"() ({
      %run_scoped3A = tpu.sem_alloc : memref<!tpu.dma_semaphore, #tpu.memory_space<semaphore_mem>>
      %dma_start3A = arith.constant 0 : i32
      %dma_start3A_41 = tpu.memref_slice %arg2[%mul3A_14, %dma_start3A] : memref<2560x128xi32, #tpu.memory_space<hbm>> -> memref<80x128xi32, #tpu.memory_space<hbm>>
      %dma_start3A_42 = arith.constant 0 : i32
      %dma_start3A_43 = tpu.memref_slice %arg2[%mul3A_14, %dma_start3A_42] : memref<2560x128xi32, #tpu.memory_space<hbm>> -> memref<80x128xi32, #tpu.memory_space<hbm>>
      tpu.enqueue_dma source(%dma_start3A_43 : memref<80x128xi32, #tpu.memory_space<hbm>>) target(%arg6 : memref<80x128xi32, #tpu.memory_space<vmem>>) target_semaphore(%run_scoped3A : memref<!tpu.dma_semaphore, #tpu.memory_space<semaphore_mem>>)
      %dma_wait3A = arith.constant 0 : i32
      %dma_wait3A_44 = tpu.memref_slice %arg2[%mul3A_14, %dma_wait3A] : memref<2560x128xi32, #tpu.memory_space<hbm>> -> memref<80x128xi32, #tpu.memory_space<hbm>>
      %dma_wait3A_45 = arith.constant 0 : i32
      %dma_wait3A_46 = tpu.memref_slice %arg2[%mul3A_14, %dma_wait3A_45] : memref<2560x128xi32, #tpu.memory_space<hbm>> -> memref<80x128xi32, #tpu.memory_space<hbm>>
      tpu.wait_dma2 semaphore(%run_scoped3A : memref<!tpu.dma_semaphore, #tpu.memory_space<semaphore_mem>>) src(%dma_wait3A_46 : memref<80x128xi32, #tpu.memory_space<hbm>>) dst(%arg6 : memref<80x128xi32, #tpu.memory_space<vmem>>)
      tpu.yield
    }) : () -> ()
    %barrier3A = arith.constant 0 : index
    tpu.barrier barrier_id(%barrier3A)
    %scan3A = arith.constant 0 : i32
    %scan3A_15 = arith.constant 0 : i32
    %scan3A_16 = arith.constant 80 : i32
    %scan3A_17 = arith.addi %scan3A_15, %scan3A_16 : i32
    %scan3A_18 = arith.constant 1 : i32
    scf.for %scan3A_41 = %scan3A_15 to %scan3A_17 step %scan3A_18  : i32 {
      "tpu.region"() ({
        %run_scoped3A = tpu.sem_alloc : memref<!tpu.dma_semaphore, #tpu.memory_space<semaphore_mem>>
        %dma_start3A = arith.constant 0 : i32
        %dma_start3A_42 = tpu.memref_slice %arg6[%scan3A_41, %dma_start3A] : memref<80x128xi32, #tpu.memory_space<vmem>> -> memref<1x128xi32, #tpu.memory_space<vmem>>
        %dma_start3A_43 = tpu.memref_squeeze %dma_start3A_42 : memref<1x128xi32, #tpu.memory_space<vmem>> -> memref<128xi32, #tpu.memory_space<vmem>>
        %dma_start3A_44 = arith.constant 0 : i32
        %dma_start3A_45 = arith.constant 0 : i32
        %dma_start3A_46 = tpu.memref_slice %arg9[%dma_start3A_44, %dma_start3A_45] : memref<10240x128xf32, #tpu.memory_space<vmem_shared>> -> memref<10240x128xf32, #tpu.memory_space<vmem_shared>>
        tpu.enqueue_indirect_dma source(%arg7 : memref<128x128xf32, #tpu.memory_space<vmem>>) target(%dma_start3A_46 : memref<10240x128xf32, #tpu.memory_space<vmem_shared>>) offsets(%dma_start3A_43 : memref<128xi32, #tpu.memory_space<vmem>>) semaphore(%run_scoped3A : memref<!tpu.dma_semaphore, #tpu.memory_space<semaphore_mem>>) {add = true}
        %dma_wait3A = arith.constant 0 : i32
        %dma_wait3A_47 = tpu.memref_slice %arg6[%scan3A_41, %dma_wait3A] : memref<80x128xi32, #tpu.memory_space<vmem>> -> memref<1x128xi32, #tpu.memory_space<vmem>>
        %dma_wait3A_48 = tpu.memref_squeeze %dma_wait3A_47 : memref<1x128xi32, #tpu.memory_space<vmem>> -> memref<128xi32, #tpu.memory_space<vmem>>
        %dma_wait3A_49 = arith.constant 0 : i32
        %dma_wait3A_50 = arith.constant 0 : i32
        %dma_wait3A_51 = tpu.memref_slice %arg9[%dma_wait3A_49, %dma_wait3A_50] : memref<10240x128xf32, #tpu.memory_space<vmem_shared>> -> memref<10240x128xf32, #tpu.memory_space<vmem_shared>>
        tpu.wait_indirect_dma semaphore(%run_scoped3A : memref<!tpu.dma_semaphore, #tpu.memory_space<semaphore_mem>>) src(%arg7 : memref<128x128xf32, #tpu.memory_space<vmem>>) dst(%dma_wait3A_51 : memref<10240x128xf32, #tpu.memory_space<vmem_shared>>)
        tpu.yield
      }) : () -> ()
    }
    %scan3A_19 = arith.constant 80 : i32
    %barrier3A_20 = arith.constant 0 : index
    tpu.barrier barrier_id(%barrier3A_20)
    %add3A_21 = arith.constant 0 : i32
    %add3A_22 = arith.addi %mul3A_2, %add3A_21 : i32
    "tpu.region"() ({
      %run_scoped3A = tpu.sem_alloc : memref<!tpu.dma_semaphore, #tpu.memory_space<semaphore_mem>>
      %dma_start3A = arith.constant 0 : i32
      %dma_start3A_41 = tpu.memref_slice %arg9[%add3A_22, %dma_start3A] : memref<10240x128xf32, #tpu.memory_space<vmem_shared>> -> memref<128x128xf32, #tpu.memory_space<vmem_shared>>
      %dma_start3A_42 = arith.constant 0 : i32
      %dma_start3A_43 = tpu.memref_slice %arg9[%add3A_22, %dma_start3A_42] : memref<10240x128xf32, #tpu.memory_space<vmem_shared>> -> memref<128x128xf32, #tpu.memory_space<vmem_shared>>
      tpu.enqueue_dma source(%dma_start3A_43 : memref<128x128xf32, #tpu.memory_space<vmem_shared>>) target(%arg8 : memref<128x128xf32, #tpu.memory_space<vmem>>) target_semaphore(%run_scoped3A : memref<!tpu.dma_semaphore, #tpu.memory_space<semaphore_mem>>)
      %dma_wait3A = arith.constant 0 : i32
      %dma_wait3A_44 = tpu.memref_slice %arg9[%add3A_22, %dma_wait3A] : memref<10240x128xf32, #tpu.memory_space<vmem_shared>> -> memref<128x128xf32, #tpu.memory_space<vmem_shared>>
      %dma_wait3A_45 = arith.constant 0 : i32
      %dma_wait3A_46 = tpu.memref_slice %arg9[%add3A_22, %dma_wait3A_45] : memref<10240x128xf32, #tpu.memory_space<vmem_shared>> -> memref<128x128xf32, #tpu.memory_space<vmem_shared>>
      tpu.wait_dma2 semaphore(%run_scoped3A : memref<!tpu.dma_semaphore, #tpu.memory_space<semaphore_mem>>) src(%dma_wait3A_46 : memref<128x128xf32, #tpu.memory_space<vmem_shared>>) dst(%arg8 : memref<128x128xf32, #tpu.memory_space<vmem>>)
      tpu.yield
    }) : () -> ()
    %add3A_23 = arith.constant 0 : i32
    %add3A_24 = arith.addi %mul3A_2, %add3A_23 : i32
    "tpu.region"() ({
      %run_scoped3A = tpu.sem_alloc : memref<!tpu.dma_semaphore, #tpu.memory_space<semaphore_mem>>
      %dma_start3A = arith.constant 0 : i32
      %dma_start3A_41 = tpu.memref_slice %arg5[%arg0, %add3A_24, %dma_start3A] : memref<2x10240x128xf32, #tpu.memory_space<hbm>> -> memref<1x128x128xf32, #tpu.memory_space<hbm>>
      %dma_start3A_42 = tpu.memref_squeeze %dma_start3A_41 : memref<1x128x128xf32, #tpu.memory_space<hbm>> -> memref<128x128xf32, #tpu.memory_space<hbm>>
      %dma_start3A_43 = arith.constant 0 : i32
      %dma_start3A_44 = tpu.memref_slice %arg5[%arg0, %add3A_24, %dma_start3A_43] : memref<2x10240x128xf32, #tpu.memory_space<hbm>> -> memref<1x128x128xf32, #tpu.memory_space<hbm>>
      %dma_start3A_45 = tpu.memref_squeeze %dma_start3A_44 : memref<1x128x128xf32, #tpu.memory_space<hbm>> -> memref<128x128xf32, #tpu.memory_space<hbm>>
      tpu.enqueue_dma source(%arg8 : memref<128x128xf32, #tpu.memory_space<vmem>>) target(%dma_start3A_45 : memref<128x128xf32, #tpu.memory_space<hbm>>) target_semaphore(%run_scoped3A : memref<!tpu.dma_semaphore, #tpu.memory_space<semaphore_mem>>)
      %dma_wait3A = arith.constant 0 : i32
      %dma_wait3A_46 = tpu.memref_slice %arg5[%arg0, %add3A_24, %dma_wait3A] : memref<2x10240x128xf32, #tpu.memory_space<hbm>> -> memref<1x128x128xf32, #tpu.memory_space<hbm>>
      %dma_wait3A_47 = tpu.memref_squeeze %dma_wait3A_46 : memref<1x128x128xf32, #tpu.memory_space<hbm>> -> memref<128x128xf32, #tpu.memory_space<hbm>>
      %dma_wait3A_48 = arith.constant 0 : i32
      %dma_wait3A_49 = tpu.memref_slice %arg5[%arg0, %add3A_24, %dma_wait3A_48] : memref<2x10240x128xf32, #tpu.memory_space<hbm>> -> memref<1x128x128xf32, #tpu.memory_space<hbm>>
      %dma_wait3A_50 = tpu.memref_squeeze %dma_wait3A_49 : memref<1x128x128xf32, #tpu.memory_space<hbm>> -> memref<128x128xf32, #tpu.memory_space<hbm>>
      tpu.wait_dma2 semaphore(%run_scoped3A : memref<!tpu.dma_semaphore, #tpu.memory_space<semaphore_mem>>) src(%arg8 : memref<128x128xf32, #tpu.memory_space<vmem>>) dst(%dma_wait3A_50 : memref<128x128xf32, #tpu.memory_space<hbm>>)
      tpu.yield
    }) : () -> ()
    %add3A_25 = arith.constant 128 : i32
    %add3A_26 = arith.addi %mul3A_2, %add3A_25 : i32
    "tpu.region"() ({
      %run_scoped3A = tpu.sem_alloc : memref<!tpu.dma_semaphore, #tpu.memory_space<semaphore_mem>>
      %dma_start3A = arith.constant 0 : i32
      %dma_start3A_41 = tpu.memref_slice %arg9[%add3A_26, %dma_start3A] : memref<10240x128xf32, #tpu.memory_space<vmem_shared>> -> memref<128x128xf32, #tpu.memory_space<vmem_shared>>
      %dma_start3A_42 = arith.constant 0 : i32
      %dma_start3A_43 = tpu.memref_slice %arg9[%add3A_26, %dma_start3A_42] : memref<10240x128xf32, #tpu.memory_space<vmem_shared>> -> memref<128x128xf32, #tpu.memory_space<vmem_shared>>
      tpu.enqueue_dma source(%dma_start3A_43 : memref<128x128xf32, #tpu.memory_space<vmem_shared>>) target(%arg8 : memref<128x128xf32, #tpu.memory_space<vmem>>) target_semaphore(%run_scoped3A : memref<!tpu.dma_semaphore, #tpu.memory_space<semaphore_mem>>)
      %dma_wait3A = arith.constant 0 : i32
      %dma_wait3A_44 = tpu.memref_slice %arg9[%add3A_26, %dma_wait3A] : memref<10240x128xf32, #tpu.memory_space<vmem_shared>> -> memref<128x128xf32, #tpu.memory_space<vmem_shared>>
      %dma_wait3A_45 = arith.constant 0 : i32
      %dma_wait3A_46 = tpu.memref_slice %arg9[%add3A_26, %dma_wait3A_45] : memref<10240x128xf32, #tpu.memory_space<vmem_shared>> -> memref<128x128xf32, #tpu.memory_space<vmem_shared>>
      tpu.wait_dma2 semaphore(%run_scoped3A : memref<!tpu.dma_semaphore, #tpu.memory_space<semaphore_mem>>) src(%dma_wait3A_46 : memref<128x128xf32, #tpu.memory_space<vmem_shared>>) dst(%arg8 : memref<128x128xf32, #tpu.memory_space<vmem>>)
      tpu.yield
    }) : () -> ()
    %add3A_27 = arith.constant 128 : i32
    %add3A_28 = arith.addi %mul3A_2, %add3A_27 : i32
    "tpu.region"() ({
      %run_scoped3A = tpu.sem_alloc : memref<!tpu.dma_semaphore, #tpu.memory_space<semaphore_mem>>
      %dma_start3A = arith.constant 0 : i32
      %dma_start3A_41 = tpu.memref_slice %arg5[%arg0, %add3A_28, %dma_start3A] : memref<2x10240x128xf32, #tpu.memory_space<hbm>> -> memref<1x128x128xf32, #tpu.memory_space<hbm>>
      %dma_start3A_42 = tpu.memref_squeeze %dma_start3A_41 : memref<1x128x128xf32, #tpu.memory_space<hbm>> -> memref<128x128xf32, #tpu.memory_space<hbm>>
      %dma_start3A_43 = arith.constant 0 : i32
      %dma_start3A_44 = tpu.memref_slice %arg5[%arg0, %add3A_28, %dma_start3A_43] : memref<2x10240x128xf32, #tpu.memory_space<hbm>> -> memref<1x128x128xf32, #tpu.memory_space<hbm>>
      %dma_start3A_45 = tpu.memref_squeeze %dma_start3A_44 : memref<1x128x128xf32, #tpu.memory_space<hbm>> -> memref<128x128xf32, #tpu.memory_space<hbm>>
      tpu.enqueue_dma source(%arg8 : memref<128x128xf32, #tpu.memory_space<vmem>>) target(%dma_start3A_45 : memref<128x128xf32, #tpu.memory_space<hbm>>) target_semaphore(%run_scoped3A : memref<!tpu.dma_semaphore, #tpu.memory_space<semaphore_mem>>)
      %dma_wait3A = arith.constant 0 : i32
      %dma_wait3A_46 = tpu.memref_slice %arg5[%arg0, %add3A_28, %dma_wait3A] : memref<2x10240x128xf32, #tpu.memory_space<hbm>> -> memref<1x128x128xf32, #tpu.memory_space<hbm>>
      %dma_wait3A_47 = tpu.memref_squeeze %dma_wait3A_46 : memref<1x128x128xf32, #tpu.memory_space<hbm>> -> memref<128x128xf32, #tpu.memory_space<hbm>>
      %dma_wait3A_48 = arith.constant 0 : i32
      %dma_wait3A_49 = tpu.memref_slice %arg5[%arg0, %add3A_28, %dma_wait3A_48] : memref<2x10240x128xf32, #tpu.memory_space<hbm>> -> memref<1x128x128xf32, #tpu.memory_space<hbm>>
      %dma_wait3A_50 = tpu.memref_squeeze %dma_wait3A_49 : memref<1x128x128xf32, #tpu.memory_space<hbm>> -> memref<128x128xf32, #tpu.memory_space<hbm>>
      tpu.wait_dma2 semaphore(%run_scoped3A : memref<!tpu.dma_semaphore, #tpu.memory_space<semaphore_mem>>) src(%arg8 : memref<128x128xf32, #tpu.memory_space<vmem>>) dst(%dma_wait3A_50 : memref<128x128xf32, #tpu.memory_space<hbm>>)
      tpu.yield
    }) : () -> ()
    %add3A_29 = arith.constant 256 : i32
    %add3A_30 = arith.addi %mul3A_2, %add3A_29 : i32
    "tpu.region"() ({
      %run_scoped3A = tpu.sem_alloc : memref<!tpu.dma_semaphore, #tpu.memory_space<semaphore_mem>>
      %dma_start3A = arith.constant 0 : i32
      %dma_start3A_41 = tpu.memref_slice %arg9[%add3A_30, %dma_start3A] : memref<10240x128xf32, #tpu.memory_space<vmem_shared>> -> memref<128x128xf32, #tpu.memory_space<vmem_shared>>
      %dma_start3A_42 = arith.constant 0 : i32
      %dma_start3A_43 = tpu.memref_slice %arg9[%add3A_30, %dma_start3A_42] : memref<10240x128xf32, #tpu.memory_space<vmem_shared>> -> memref<128x128xf32, #tpu.memory_space<vmem_shared>>
      tpu.enqueue_dma source(%dma_start3A_43 : memref<128x128xf32, #tpu.memory_space<vmem_shared>>) target(%arg8 : memref<128x128xf32, #tpu.memory_space<vmem>>) target_semaphore(%run_scoped3A : memref<!tpu.dma_semaphore, #tpu.memory_space<semaphore_mem>>)
      %dma_wait3A = arith.constant 0 : i32
      %dma_wait3A_44 = tpu.memref_slice %arg9[%add3A_30, %dma_wait3A] : memref<10240x128xf32, #tpu.memory_space<vmem_shared>> -> memref<128x128xf32, #tpu.memory_space<vmem_shared>>
      %dma_wait3A_45 = arith.constant 0 : i32
      %dma_wait3A_46 = tpu.memref_slice %arg9[%add3A_30, %dma_wait3A_45] : memref<10240x128xf32, #tpu.memory_space<vmem_shared>> -> memref<128x128xf32, #tpu.memory_space<vmem_shared>>
      tpu.wait_dma2 semaphore(%run_scoped3A : memref<!tpu.dma_semaphore, #tpu.memory_space<semaphore_mem>>) src(%dma_wait3A_46 : memref<128x128xf32, #tpu.memory_space<vmem_shared>>) dst(%arg8 : memref<128x128xf32, #tpu.memory_space<vmem>>)
      tpu.yield
    }) : () -> ()
    %add3A_31 = arith.constant 256 : i32
    %add3A_32 = arith.addi %mul3A_2, %add3A_31 : i32
    "tpu.region"() ({
      %run_scoped3A = tpu.sem_alloc : memref<!tpu.dma_semaphore, #tpu.memory_space<semaphore_mem>>
      %dma_start3A = arith.constant 0 : i32
      %dma_start3A_41 = tpu.memref_slice %arg5[%arg0, %add3A_32, %dma_start3A] : memref<2x10240x128xf32, #tpu.memory_space<hbm>> -> memref<1x128x128xf32, #tpu.memory_space<hbm>>
      %dma_start3A_42 = tpu.memref_squeeze %dma_start3A_41 : memref<1x128x128xf32, #tpu.memory_space<hbm>> -> memref<128x128xf32, #tpu.memory_space<hbm>>
      %dma_start3A_43 = arith.constant 0 : i32
      %dma_start3A_44 = tpu.memref_slice %arg5[%arg0, %add3A_32, %dma_start3A_43] : memref<2x10240x128xf32, #tpu.memory_space<hbm>> -> memref<1x128x128xf32, #tpu.memory_space<hbm>>
      %dma_start3A_45 = tpu.memref_squeeze %dma_start3A_44 : memref<1x128x128xf32, #tpu.memory_space<hbm>> -> memref<128x128xf32, #tpu.memory_space<hbm>>
      tpu.enqueue_dma source(%arg8 : memref<128x128xf32, #tpu.memory_space<vmem>>) target(%dma_start3A_45 : memref<128x128xf32, #tpu.memory_space<hbm>>) target_semaphore(%run_scoped3A : memref<!tpu.dma_semaphore, #tpu.memory_space<semaphore_mem>>)
      %dma_wait3A = arith.constant 0 : i32
      %dma_wait3A_46 = tpu.memref_slice %arg5[%arg0, %add3A_32, %dma_wait3A] : memref<2x10240x128xf32, #tpu.memory_space<hbm>> -> memref<1x128x128xf32, #tpu.memory_space<hbm>>
      %dma_wait3A_47 = tpu.memref_squeeze %dma_wait3A_46 : memref<1x128x128xf32, #tpu.memory_space<hbm>> -> memref<128x128xf32, #tpu.memory_space<hbm>>
      %dma_wait3A_48 = arith.constant 0 : i32
      %dma_wait3A_49 = tpu.memref_slice %arg5[%arg0, %add3A_32, %dma_wait3A_48] : memref<2x10240x128xf32, #tpu.memory_space<hbm>> -> memref<1x128x128xf32, #tpu.memory_space<hbm>>
      %dma_wait3A_50 = tpu.memref_squeeze %dma_wait3A_49 : memref<1x128x128xf32, #tpu.memory_space<hbm>> -> memref<128x128xf32, #tpu.memory_space<hbm>>
      tpu.wait_dma2 semaphore(%run_scoped3A : memref<!tpu.dma_semaphore, #tpu.memory_space<semaphore_mem>>) src(%arg8 : memref<128x128xf32, #tpu.memory_space<vmem>>) dst(%dma_wait3A_50 : memref<128x128xf32, #tpu.memory_space<hbm>>)
      tpu.yield
    }) : () -> ()
    %add3A_33 = arith.constant 384 : i32
    %add3A_34 = arith.addi %mul3A_2, %add3A_33 : i32
    "tpu.region"() ({
      %run_scoped3A = tpu.sem_alloc : memref<!tpu.dma_semaphore, #tpu.memory_space<semaphore_mem>>
      %dma_start3A = arith.constant 0 : i32
      %dma_start3A_41 = tpu.memref_slice %arg9[%add3A_34, %dma_start3A] : memref<10240x128xf32, #tpu.memory_space<vmem_shared>> -> memref<128x128xf32, #tpu.memory_space<vmem_shared>>
      %dma_start3A_42 = arith.constant 0 : i32
      %dma_start3A_43 = tpu.memref_slice %arg9[%add3A_34, %dma_start3A_42] : memref<10240x128xf32, #tpu.memory_space<vmem_shared>> -> memref<128x128xf32, #tpu.memory_space<vmem_shared>>
      tpu.enqueue_dma source(%dma_start3A_43 : memref<128x128xf32, #tpu.memory_space<vmem_shared>>) target(%arg8 : memref<128x128xf32, #tpu.memory_space<vmem>>) target_semaphore(%run_scoped3A : memref<!tpu.dma_semaphore, #tpu.memory_space<semaphore_mem>>)
      %dma_wait3A = arith.constant 0 : i32
      %dma_wait3A_44 = tpu.memref_slice %arg9[%add3A_34, %dma_wait3A] : memref<10240x128xf32, #tpu.memory_space<vmem_shared>> -> memref<128x128xf32, #tpu.memory_space<vmem_shared>>
      %dma_wait3A_45 = arith.constant 0 : i32
      %dma_wait3A_46 = tpu.memref_slice %arg9[%add3A_34, %dma_wait3A_45] : memref<10240x128xf32, #tpu.memory_space<vmem_shared>> -> memref<128x128xf32, #tpu.memory_space<vmem_shared>>
      tpu.wait_dma2 semaphore(%run_scoped3A : memref<!tpu.dma_semaphore, #tpu.memory_space<semaphore_mem>>) src(%dma_wait3A_46 : memref<128x128xf32, #tpu.memory_space<vmem_shared>>) dst(%arg8 : memref<128x128xf32, #tpu.memory_space<vmem>>)
      tpu.yield
    }) : () -> ()
    %add3A_35 = arith.constant 384 : i32
    %add3A_36 = arith.addi %mul3A_2, %add3A_35 : i32
    "tpu.region"() ({
      %run_scoped3A = tpu.sem_alloc : memref<!tpu.dma_semaphore, #tpu.memory_space<semaphore_mem>>
      %dma_start3A = arith.constant 0 : i32
      %dma_start3A_41 = tpu.memref_slice %arg5[%arg0, %add3A_36, %dma_start3A] : memref<2x10240x128xf32, #tpu.memory_space<hbm>> -> memref<1x128x128xf32, #tpu.memory_space<hbm>>
      %dma_start3A_42 = tpu.memref_squeeze %dma_start3A_41 : memref<1x128x128xf32, #tpu.memory_space<hbm>> -> memref<128x128xf32, #tpu.memory_space<hbm>>
      %dma_start3A_43 = arith.constant 0 : i32
      %dma_start3A_44 = tpu.memref_slice %arg5[%arg0, %add3A_36, %dma_start3A_43] : memref<2x10240x128xf32, #tpu.memory_space<hbm>> -> memref<1x128x128xf32, #tpu.memory_space<hbm>>
      %dma_start3A_45 = tpu.memref_squeeze %dma_start3A_44 : memref<1x128x128xf32, #tpu.memory_space<hbm>> -> memref<128x128xf32, #tpu.memory_space<hbm>>
      tpu.enqueue_dma source(%arg8 : memref<128x128xf32, #tpu.memory_space<vmem>>) target(%dma_start3A_45 : memref<128x128xf32, #tpu.memory_space<hbm>>) target_semaphore(%run_scoped3A : memref<!tpu.dma_semaphore, #tpu.memory_space<semaphore_mem>>)
      %dma_wait3A = arith.constant 0 : i32
      %dma_wait3A_46 = tpu.memref_slice %arg5[%arg0, %add3A_36, %dma_wait3A] : memref<2x10240x128xf32, #tpu.memory_space<hbm>> -> memref<1x128x128xf32, #tpu.memory_space<hbm>>
      %dma_wait3A_47 = tpu.memref_squeeze %dma_wait3A_46 : memref<1x128x128xf32, #tpu.memory_space<hbm>> -> memref<128x128xf32, #tpu.memory_space<hbm>>
      %dma_wait3A_48 = arith.constant 0 : i32
      %dma_wait3A_49 = tpu.memref_slice %arg5[%arg0, %add3A_36, %dma_wait3A_48] : memref<2x10240x128xf32, #tpu.memory_space<hbm>> -> memref<1x128x128xf32, #tpu.memory_space<hbm>>
      %dma_wait3A_50 = tpu.memref_squeeze %dma_wait3A_49 : memref<1x128x128xf32, #tpu.memory_space<hbm>> -> memref<128x128xf32, #tpu.memory_space<hbm>>
      tpu.wait_dma2 semaphore(%run_scoped3A : memref<!tpu.dma_semaphore, #tpu.memory_space<semaphore_mem>>) src(%arg8 : memref<128x128xf32, #tpu.memory_space<vmem>>) dst(%dma_wait3A_50 : memref<128x128xf32, #tpu.memory_space<hbm>>)
      tpu.yield
    }) : () -> ()
    %add3A_37 = arith.constant 512 : i32
    %add3A_38 = arith.addi %mul3A_2, %add3A_37 : i32
    "tpu.region"() ({
      %run_scoped3A = tpu.sem_alloc : memref<!tpu.dma_semaphore, #tpu.memory_space<semaphore_mem>>
      %dma_start3A = arith.constant 0 : i32
      %dma_start3A_41 = tpu.memref_slice %arg9[%add3A_38, %dma_start3A] : memref<10240x128xf32, #tpu.memory_space<vmem_shared>> -> memref<128x128xf32, #tpu.memory_space<vmem_shared>>
      %dma_start3A_42 = arith.constant 0 : i32
      %dma_start3A_43 = tpu.memref_slice %arg9[%add3A_38, %dma_start3A_42] : memref<10240x128xf32, #tpu.memory_space<vmem_shared>> -> memref<128x128xf32, #tpu.memory_space<vmem_shared>>
      tpu.enqueue_dma source(%dma_start3A_43 : memref<128x128xf32, #tpu.memory_space<vmem_shared>>) target(%arg8 : memref<128x128xf32, #tpu.memory_space<vmem>>) target_semaphore(%run_scoped3A : memref<!tpu.dma_semaphore, #tpu.memory_space<semaphore_mem>>)
      %dma_wait3A = arith.constant 0 : i32
      %dma_wait3A_44 = tpu.memref_slice %arg9[%add3A_38, %dma_wait3A] : memref<10240x128xf32, #tpu.memory_space<vmem_shared>> -> memref<128x128xf32, #tpu.memory_space<vmem_shared>>
      %dma_wait3A_45 = arith.constant 0 : i32
      %dma_wait3A_46 = tpu.memref_slice %arg9[%add3A_38, %dma_wait3A_45] : memref<10240x128xf32, #tpu.memory_space<vmem_shared>> -> memref<128x128xf32, #tpu.memory_space<vmem_shared>>
      tpu.wait_dma2 semaphore(%run_scoped3A : memref<!tpu.dma_semaphore, #tpu.memory_space<semaphore_mem>>) src(%dma_wait3A_46 : memref<128x128xf32, #tpu.memory_space<vmem_shared>>) dst(%arg8 : memref<128x128xf32, #tpu.memory_space<vmem>>)
      tpu.yield
    }) : () -> ()
    %add3A_39 = arith.constant 512 : i32
    %add3A_40 = arith.addi %mul3A_2, %add3A_39 : i32
    "tpu.region"() ({
      %run_scoped3A = tpu.sem_alloc : memref<!tpu.dma_semaphore, #tpu.memory_space<semaphore_mem>>
      %dma_start3A = arith.constant 0 : i32
      %dma_start3A_41 = tpu.memref_slice %arg5[%arg0, %add3A_40, %dma_start3A] : memref<2x10240x128xf32, #tpu.memory_space<hbm>> -> memref<1x128x128xf32, #tpu.memory_space<hbm>>
      %dma_start3A_42 = tpu.memref_squeeze %dma_start3A_41 : memref<1x128x128xf32, #tpu.memory_space<hbm>> -> memref<128x128xf32, #tpu.memory_space<hbm>>
      %dma_start3A_43 = arith.constant 0 : i32
      %dma_start3A_44 = tpu.memref_slice %arg5[%arg0, %add3A_40, %dma_start3A_43] : memref<2x10240x128xf32, #tpu.memory_space<hbm>> -> memref<1x128x128xf32, #tpu.memory_space<hbm>>
      %dma_start3A_45 = tpu.memref_squeeze %dma_start3A_44 : memref<1x128x128xf32, #tpu.memory_space<hbm>> -> memref<128x128xf32, #tpu.memory_space<hbm>>
      tpu.enqueue_dma source(%arg8 : memref<128x128xf32, #tpu.memory_space<vmem>>) target(%dma_start3A_45 : memref<128x128xf32, #tpu.memory_space<hbm>>) target_semaphore(%run_scoped3A : memref<!tpu.dma_semaphore, #tpu.memory_space<semaphore_mem>>)
      %dma_wait3A = arith.constant 0 : i32
      %dma_wait3A_46 = tpu.memref_slice %arg5[%arg0, %add3A_40, %dma_wait3A] : memref<2x10240x128xf32, #tpu.memory_space<hbm>> -> memref<1x128x128xf32, #tpu.memory_space<hbm>>
      %dma_wait3A_47 = tpu.memref_squeeze %dma_wait3A_46 : memref<1x128x128xf32, #tpu.memory_space<hbm>> -> memref<128x128xf32, #tpu.memory_space<hbm>>
      %dma_wait3A_48 = arith.constant 0 : i32
      %dma_wait3A_49 = tpu.memref_slice %arg5[%arg0, %add3A_40, %dma_wait3A_48] : memref<2x10240x128xf32, #tpu.memory_space<hbm>> -> memref<1x128x128xf32, #tpu.memory_space<hbm>>
      %dma_wait3A_50 = tpu.memref_squeeze %dma_wait3A_49 : memref<1x128x128xf32, #tpu.memory_space<hbm>> -> memref<128x128xf32, #tpu.memory_space<hbm>>
      tpu.wait_dma2 semaphore(%run_scoped3A : memref<!tpu.dma_semaphore, #tpu.memory_space<semaphore_mem>>) src(%arg8 : memref<128x128xf32, #tpu.memory_space<vmem>>) dst(%dma_wait3A_50 : memref<128x128xf32, #tpu.memory_space<hbm>>)
      tpu.yield
    }) : () -> ()
    return
  }
}

#map = affine_map<(d0, d1) -> (0, 0)>
#map1 = affine_map<(d0, d1) -> (0, 0, 0)>
module attributes {stable_mosaic.version = 14 : i64} {
  func.func @agg_kernel(%arg0: i32, %arg1: i32, %arg2: memref<10240x128xf32, #tpu.memory_space<hbm>>, %arg3: memref<2560x128xi32, #tpu.memory_space<hbm>>, %arg4: memref<2560x128xi32, #tpu.memory_space<hbm>>, %arg5: memref<128x128xf32, #tpu.memory_space<hbm>>, %arg6: memref<2x10240x128xf32, #tpu.memory_space<hbm>>, %arg7: memref<40x128xi32, #tpu.memory_space<vmem>>, %arg8: memref<40x128xi32, #tpu.memory_space<vmem>>, %arg9: memref<128x128xf32, #tpu.memory_space<vmem>>, %arg10: memref<128x128xf32, #tpu.memory_space<vmem>>, %arg11: memref<10240x128xf32, #tpu.memory_space<vmem_shared>>, %arg12: memref<!tpu.dma_semaphore, #tpu.memory_space<semaphore_mem>>, %arg13: memref<!tpu.dma_semaphore, #tpu.memory_space<semaphore_mem>>) attributes {dimension_semantics = [#tpu.dimension_semantics<core_parallel>, #tpu.dimension_semantics<subcore_parallel>], iteration_bounds = array<i64: 2, 16>, scalar_prefetch = 0 : i64, scratch_operands = 7 : i64, tpu.core_type = #tpu.core_type<sc_vector_subcore>, window_params = [{transform_indices = #map}, {transform_indices = #map}, {transform_indices = #map}, {transform_indices = #map}, {transform_indices = #map1}]} {
    %mul3A = arith.constant 16 : i32
    %mul3A_0 = arith.muli %arg0, %mul3A : i32
    %add3A = arith.addi %mul3A_0, %arg1 : i32
    %mul3A_1 = arith.constant 640 : i32
    %mul3A_2 = arith.muli %arg1, %mul3A_1 : i32
    "tpu.region"() ({
      %run_scoped3A = tpu.sem_alloc : memref<!tpu.dma_semaphore, #tpu.memory_space<semaphore_mem>>
      tpu.enqueue_dma source(%arg5 : memref<128x128xf32, #tpu.memory_space<hbm>>) target(%arg9 : memref<128x128xf32, #tpu.memory_space<vmem>>) target_semaphore(%run_scoped3A : memref<!tpu.dma_semaphore, #tpu.memory_space<semaphore_mem>>)
      tpu.wait_dma2 semaphore(%run_scoped3A : memref<!tpu.dma_semaphore, #tpu.memory_space<semaphore_mem>>) src(%arg5 : memref<128x128xf32, #tpu.memory_space<hbm>>) dst(%arg9 : memref<128x128xf32, #tpu.memory_space<vmem>>)
      tpu.yield
    }) : () -> ()
    %add3A_3 = arith.constant 0 : i32
    %add3A_4 = arith.addi %mul3A_2, %add3A_3 : i32
    "tpu.region"() ({
      %run_scoped3A = tpu.sem_alloc : memref<!tpu.dma_semaphore, #tpu.memory_space<semaphore_mem>>
      %dma_start3A_74 = arith.constant 0 : i32
      %dma_start3A_75 = tpu.memref_slice %arg11[%add3A_4, %dma_start3A_74] : memref<10240x128xf32, #tpu.memory_space<vmem_shared>> -> memref<128x128xf32, #tpu.memory_space<vmem_shared>>
      %dma_start3A_76 = arith.constant 0 : i32
      %dma_start3A_77 = tpu.memref_slice %arg11[%add3A_4, %dma_start3A_76] : memref<10240x128xf32, #tpu.memory_space<vmem_shared>> -> memref<128x128xf32, #tpu.memory_space<vmem_shared>>
      tpu.enqueue_dma source(%arg9 : memref<128x128xf32, #tpu.memory_space<vmem>>) target(%dma_start3A_77 : memref<128x128xf32, #tpu.memory_space<vmem_shared>>) target_semaphore(%run_scoped3A : memref<!tpu.dma_semaphore, #tpu.memory_space<semaphore_mem>>)
      %dma_wait3A = arith.constant 0 : i32
      %dma_wait3A_78 = tpu.memref_slice %arg11[%add3A_4, %dma_wait3A] : memref<10240x128xf32, #tpu.memory_space<vmem_shared>> -> memref<128x128xf32, #tpu.memory_space<vmem_shared>>
      %dma_wait3A_79 = arith.constant 0 : i32
      %dma_wait3A_80 = tpu.memref_slice %arg11[%add3A_4, %dma_wait3A_79] : memref<10240x128xf32, #tpu.memory_space<vmem_shared>> -> memref<128x128xf32, #tpu.memory_space<vmem_shared>>
      tpu.wait_dma2 semaphore(%run_scoped3A : memref<!tpu.dma_semaphore, #tpu.memory_space<semaphore_mem>>) src(%arg9 : memref<128x128xf32, #tpu.memory_space<vmem>>) dst(%dma_wait3A_80 : memref<128x128xf32, #tpu.memory_space<vmem_shared>>)
      tpu.yield
    }) : () -> ()
    %add3A_5 = arith.constant 128 : i32
    %add3A_6 = arith.addi %mul3A_2, %add3A_5 : i32
    "tpu.region"() ({
      %run_scoped3A = tpu.sem_alloc : memref<!tpu.dma_semaphore, #tpu.memory_space<semaphore_mem>>
      %dma_start3A_74 = arith.constant 0 : i32
      %dma_start3A_75 = tpu.memref_slice %arg11[%add3A_6, %dma_start3A_74] : memref<10240x128xf32, #tpu.memory_space<vmem_shared>> -> memref<128x128xf32, #tpu.memory_space<vmem_shared>>
      %dma_start3A_76 = arith.constant 0 : i32
      %dma_start3A_77 = tpu.memref_slice %arg11[%add3A_6, %dma_start3A_76] : memref<10240x128xf32, #tpu.memory_space<vmem_shared>> -> memref<128x128xf32, #tpu.memory_space<vmem_shared>>
      tpu.enqueue_dma source(%arg9 : memref<128x128xf32, #tpu.memory_space<vmem>>) target(%dma_start3A_77 : memref<128x128xf32, #tpu.memory_space<vmem_shared>>) target_semaphore(%run_scoped3A : memref<!tpu.dma_semaphore, #tpu.memory_space<semaphore_mem>>)
      %dma_wait3A = arith.constant 0 : i32
      %dma_wait3A_78 = tpu.memref_slice %arg11[%add3A_6, %dma_wait3A] : memref<10240x128xf32, #tpu.memory_space<vmem_shared>> -> memref<128x128xf32, #tpu.memory_space<vmem_shared>>
      %dma_wait3A_79 = arith.constant 0 : i32
      %dma_wait3A_80 = tpu.memref_slice %arg11[%add3A_6, %dma_wait3A_79] : memref<10240x128xf32, #tpu.memory_space<vmem_shared>> -> memref<128x128xf32, #tpu.memory_space<vmem_shared>>
      tpu.wait_dma2 semaphore(%run_scoped3A : memref<!tpu.dma_semaphore, #tpu.memory_space<semaphore_mem>>) src(%arg9 : memref<128x128xf32, #tpu.memory_space<vmem>>) dst(%dma_wait3A_80 : memref<128x128xf32, #tpu.memory_space<vmem_shared>>)
      tpu.yield
    }) : () -> ()
    %add3A_7 = arith.constant 256 : i32
    %add3A_8 = arith.addi %mul3A_2, %add3A_7 : i32
    "tpu.region"() ({
      %run_scoped3A = tpu.sem_alloc : memref<!tpu.dma_semaphore, #tpu.memory_space<semaphore_mem>>
      %dma_start3A_74 = arith.constant 0 : i32
      %dma_start3A_75 = tpu.memref_slice %arg11[%add3A_8, %dma_start3A_74] : memref<10240x128xf32, #tpu.memory_space<vmem_shared>> -> memref<128x128xf32, #tpu.memory_space<vmem_shared>>
      %dma_start3A_76 = arith.constant 0 : i32
      %dma_start3A_77 = tpu.memref_slice %arg11[%add3A_8, %dma_start3A_76] : memref<10240x128xf32, #tpu.memory_space<vmem_shared>> -> memref<128x128xf32, #tpu.memory_space<vmem_shared>>
      tpu.enqueue_dma source(%arg9 : memref<128x128xf32, #tpu.memory_space<vmem>>) target(%dma_start3A_77 : memref<128x128xf32, #tpu.memory_space<vmem_shared>>) target_semaphore(%run_scoped3A : memref<!tpu.dma_semaphore, #tpu.memory_space<semaphore_mem>>)
      %dma_wait3A = arith.constant 0 : i32
      %dma_wait3A_78 = tpu.memref_slice %arg11[%add3A_8, %dma_wait3A] : memref<10240x128xf32, #tpu.memory_space<vmem_shared>> -> memref<128x128xf32, #tpu.memory_space<vmem_shared>>
      %dma_wait3A_79 = arith.constant 0 : i32
      %dma_wait3A_80 = tpu.memref_slice %arg11[%add3A_8, %dma_wait3A_79] : memref<10240x128xf32, #tpu.memory_space<vmem_shared>> -> memref<128x128xf32, #tpu.memory_space<vmem_shared>>
      tpu.wait_dma2 semaphore(%run_scoped3A : memref<!tpu.dma_semaphore, #tpu.memory_space<semaphore_mem>>) src(%arg9 : memref<128x128xf32, #tpu.memory_space<vmem>>) dst(%dma_wait3A_80 : memref<128x128xf32, #tpu.memory_space<vmem_shared>>)
      tpu.yield
    }) : () -> ()
    %add3A_9 = arith.constant 384 : i32
    %add3A_10 = arith.addi %mul3A_2, %add3A_9 : i32
    "tpu.region"() ({
      %run_scoped3A = tpu.sem_alloc : memref<!tpu.dma_semaphore, #tpu.memory_space<semaphore_mem>>
      %dma_start3A_74 = arith.constant 0 : i32
      %dma_start3A_75 = tpu.memref_slice %arg11[%add3A_10, %dma_start3A_74] : memref<10240x128xf32, #tpu.memory_space<vmem_shared>> -> memref<128x128xf32, #tpu.memory_space<vmem_shared>>
      %dma_start3A_76 = arith.constant 0 : i32
      %dma_start3A_77 = tpu.memref_slice %arg11[%add3A_10, %dma_start3A_76] : memref<10240x128xf32, #tpu.memory_space<vmem_shared>> -> memref<128x128xf32, #tpu.memory_space<vmem_shared>>
      tpu.enqueue_dma source(%arg9 : memref<128x128xf32, #tpu.memory_space<vmem>>) target(%dma_start3A_77 : memref<128x128xf32, #tpu.memory_space<vmem_shared>>) target_semaphore(%run_scoped3A : memref<!tpu.dma_semaphore, #tpu.memory_space<semaphore_mem>>)
      %dma_wait3A = arith.constant 0 : i32
      %dma_wait3A_78 = tpu.memref_slice %arg11[%add3A_10, %dma_wait3A] : memref<10240x128xf32, #tpu.memory_space<vmem_shared>> -> memref<128x128xf32, #tpu.memory_space<vmem_shared>>
      %dma_wait3A_79 = arith.constant 0 : i32
      %dma_wait3A_80 = tpu.memref_slice %arg11[%add3A_10, %dma_wait3A_79] : memref<10240x128xf32, #tpu.memory_space<vmem_shared>> -> memref<128x128xf32, #tpu.memory_space<vmem_shared>>
      tpu.wait_dma2 semaphore(%run_scoped3A : memref<!tpu.dma_semaphore, #tpu.memory_space<semaphore_mem>>) src(%arg9 : memref<128x128xf32, #tpu.memory_space<vmem>>) dst(%dma_wait3A_80 : memref<128x128xf32, #tpu.memory_space<vmem_shared>>)
      tpu.yield
    }) : () -> ()
    %add3A_11 = arith.constant 512 : i32
    %add3A_12 = arith.addi %mul3A_2, %add3A_11 : i32
    "tpu.region"() ({
      %run_scoped3A = tpu.sem_alloc : memref<!tpu.dma_semaphore, #tpu.memory_space<semaphore_mem>>
      %dma_start3A_74 = arith.constant 0 : i32
      %dma_start3A_75 = tpu.memref_slice %arg11[%add3A_12, %dma_start3A_74] : memref<10240x128xf32, #tpu.memory_space<vmem_shared>> -> memref<128x128xf32, #tpu.memory_space<vmem_shared>>
      %dma_start3A_76 = arith.constant 0 : i32
      %dma_start3A_77 = tpu.memref_slice %arg11[%add3A_12, %dma_start3A_76] : memref<10240x128xf32, #tpu.memory_space<vmem_shared>> -> memref<128x128xf32, #tpu.memory_space<vmem_shared>>
      tpu.enqueue_dma source(%arg9 : memref<128x128xf32, #tpu.memory_space<vmem>>) target(%dma_start3A_77 : memref<128x128xf32, #tpu.memory_space<vmem_shared>>) target_semaphore(%run_scoped3A : memref<!tpu.dma_semaphore, #tpu.memory_space<semaphore_mem>>)
      %dma_wait3A = arith.constant 0 : i32
      %dma_wait3A_78 = tpu.memref_slice %arg11[%add3A_12, %dma_wait3A] : memref<10240x128xf32, #tpu.memory_space<vmem_shared>> -> memref<128x128xf32, #tpu.memory_space<vmem_shared>>
      %dma_wait3A_79 = arith.constant 0 : i32
      %dma_wait3A_80 = tpu.memref_slice %arg11[%add3A_12, %dma_wait3A_79] : memref<10240x128xf32, #tpu.memory_space<vmem_shared>> -> memref<128x128xf32, #tpu.memory_space<vmem_shared>>
      tpu.wait_dma2 semaphore(%run_scoped3A : memref<!tpu.dma_semaphore, #tpu.memory_space<semaphore_mem>>) src(%arg9 : memref<128x128xf32, #tpu.memory_space<vmem>>) dst(%dma_wait3A_80 : memref<128x128xf32, #tpu.memory_space<vmem_shared>>)
      tpu.yield
    }) : () -> ()
    %barrier3A = arith.constant 0 : index
    tpu.barrier barrier_id(%barrier3A)
    %mul3A_13 = arith.constant 80 : i32
    %mul3A_14 = arith.muli %add3A, %mul3A_13 : i32
    %add3A_15 = arith.constant 0 : i32
    %add3A_16 = arith.addi %mul3A_14, %add3A_15 : i32
    "tpu.region"() ({
      %run_scoped3A = tpu.sem_alloc : memref<!tpu.dma_semaphore, #tpu.memory_space<semaphore_mem>>
      %dma_start3A_74 = arith.constant 0 : i32
      %dma_start3A_75 = tpu.memref_slice %arg3[%add3A_16, %dma_start3A_74] : memref<2560x128xi32, #tpu.memory_space<hbm>> -> memref<40x128xi32, #tpu.memory_space<hbm>>
      %dma_start3A_76 = arith.constant 0 : i32
      %dma_start3A_77 = tpu.memref_slice %arg3[%add3A_16, %dma_start3A_76] : memref<2560x128xi32, #tpu.memory_space<hbm>> -> memref<40x128xi32, #tpu.memory_space<hbm>>
      tpu.enqueue_dma source(%dma_start3A_77 : memref<40x128xi32, #tpu.memory_space<hbm>>) target(%arg7 : memref<40x128xi32, #tpu.memory_space<vmem>>) target_semaphore(%run_scoped3A : memref<!tpu.dma_semaphore, #tpu.memory_space<semaphore_mem>>)
      %dma_wait3A = arith.constant 0 : i32
      %dma_wait3A_78 = tpu.memref_slice %arg3[%add3A_16, %dma_wait3A] : memref<2560x128xi32, #tpu.memory_space<hbm>> -> memref<40x128xi32, #tpu.memory_space<hbm>>
      %dma_wait3A_79 = arith.constant 0 : i32
      %dma_wait3A_80 = tpu.memref_slice %arg3[%add3A_16, %dma_wait3A_79] : memref<2560x128xi32, #tpu.memory_space<hbm>> -> memref<40x128xi32, #tpu.memory_space<hbm>>
      tpu.wait_dma2 semaphore(%run_scoped3A : memref<!tpu.dma_semaphore, #tpu.memory_space<semaphore_mem>>) src(%dma_wait3A_80 : memref<40x128xi32, #tpu.memory_space<hbm>>) dst(%arg7 : memref<40x128xi32, #tpu.memory_space<vmem>>)
      tpu.yield
    }) : () -> ()
    %mul3A_17 = arith.constant 80 : i32
    %mul3A_18 = arith.muli %add3A, %mul3A_17 : i32
    %add3A_19 = arith.constant 0 : i32
    %add3A_20 = arith.addi %mul3A_18, %add3A_19 : i32
    "tpu.region"() ({
      %run_scoped3A = tpu.sem_alloc : memref<!tpu.dma_semaphore, #tpu.memory_space<semaphore_mem>>
      %dma_start3A_74 = arith.constant 0 : i32
      %dma_start3A_75 = tpu.memref_slice %arg4[%add3A_20, %dma_start3A_74] : memref<2560x128xi32, #tpu.memory_space<hbm>> -> memref<40x128xi32, #tpu.memory_space<hbm>>
      %dma_start3A_76 = arith.constant 0 : i32
      %dma_start3A_77 = tpu.memref_slice %arg4[%add3A_20, %dma_start3A_76] : memref<2560x128xi32, #tpu.memory_space<hbm>> -> memref<40x128xi32, #tpu.memory_space<hbm>>
      tpu.enqueue_dma source(%dma_start3A_77 : memref<40x128xi32, #tpu.memory_space<hbm>>) target(%arg8 : memref<40x128xi32, #tpu.memory_space<vmem>>) target_semaphore(%run_scoped3A : memref<!tpu.dma_semaphore, #tpu.memory_space<semaphore_mem>>)
      %dma_wait3A = arith.constant 0 : i32
      %dma_wait3A_78 = tpu.memref_slice %arg4[%add3A_20, %dma_wait3A] : memref<2560x128xi32, #tpu.memory_space<hbm>> -> memref<40x128xi32, #tpu.memory_space<hbm>>
      %dma_wait3A_79 = arith.constant 0 : i32
      %dma_wait3A_80 = tpu.memref_slice %arg4[%add3A_20, %dma_wait3A_79] : memref<2560x128xi32, #tpu.memory_space<hbm>> -> memref<40x128xi32, #tpu.memory_space<hbm>>
      tpu.wait_dma2 semaphore(%run_scoped3A : memref<!tpu.dma_semaphore, #tpu.memory_space<semaphore_mem>>) src(%dma_wait3A_80 : memref<40x128xi32, #tpu.memory_space<hbm>>) dst(%arg8 : memref<40x128xi32, #tpu.memory_space<vmem>>)
      tpu.yield
    }) : () -> ()
    %dma_start3A = arith.constant 0 : i32
    %dma_start3A_21 = arith.constant 0 : i32
    %dma_start3A_22 = tpu.memref_slice %arg7[%dma_start3A, %dma_start3A_21] : memref<40x128xi32, #tpu.memory_space<vmem>> -> memref<1x128xi32, #tpu.memory_space<vmem>>
    %dma_start3A_23 = tpu.memref_squeeze %dma_start3A_22 : memref<1x128xi32, #tpu.memory_space<vmem>> -> memref<128xi32, #tpu.memory_space<vmem>>
    %dma_start3A_24 = arith.constant 0 : i32
    %dma_start3A_25 = arith.constant 0 : i32
    %dma_start3A_26 = tpu.memref_slice %arg2[%dma_start3A_24, %dma_start3A_25] : memref<10240x128xf32, #tpu.memory_space<hbm>> -> memref<10240x128xf32, #tpu.memory_space<hbm>>
    tpu.enqueue_indirect_dma source(%dma_start3A_26 : memref<10240x128xf32, #tpu.memory_space<hbm>>) target(%arg9 : memref<128x128xf32, #tpu.memory_space<vmem>>) offsets(%dma_start3A_23 : memref<128xi32, #tpu.memory_space<vmem>>) semaphore(%arg12 : memref<!tpu.dma_semaphore, #tpu.memory_space<semaphore_mem>>)
    %scan3A = arith.constant 0 : i32
    %scan3A_27 = arith.constant 0 : i32
    %scan3A_28 = arith.constant 20 : i32
    %scan3A_29 = arith.addi %scan3A_27, %scan3A_28 : i32
    %scan3A_30 = arith.constant 1 : i32
    scf.for %scan3A_74 = %scan3A_27 to %scan3A_29 step %scan3A_30  : i32 {
      %mul3A_75 = arith.constant 2 : i32
      %mul3A_76 = arith.muli %mul3A_75, %scan3A_74 : i32
      %add3A_77 = arith.constant 1 : i32
      %add3A_78 = arith.addi %mul3A_76, %add3A_77 : i32
      %dma_start3A_79 = arith.constant 0 : i32
      %dma_start3A_80 = tpu.memref_slice %arg7[%add3A_78, %dma_start3A_79] : memref<40x128xi32, #tpu.memory_space<vmem>> -> memref<1x128xi32, #tpu.memory_space<vmem>>
      %dma_start3A_81 = tpu.memref_squeeze %dma_start3A_80 : memref<1x128xi32, #tpu.memory_space<vmem>> -> memref<128xi32, #tpu.memory_space<vmem>>
      %dma_start3A_82 = arith.constant 0 : i32
      %dma_start3A_83 = arith.constant 0 : i32
      %dma_start3A_84 = tpu.memref_slice %arg2[%dma_start3A_82, %dma_start3A_83] : memref<10240x128xf32, #tpu.memory_space<hbm>> -> memref<10240x128xf32, #tpu.memory_space<hbm>>
      tpu.enqueue_indirect_dma source(%dma_start3A_84 : memref<10240x128xf32, #tpu.memory_space<hbm>>) target(%arg10 : memref<128x128xf32, #tpu.memory_space<vmem>>) offsets(%dma_start3A_81 : memref<128xi32, #tpu.memory_space<vmem>>) semaphore(%arg13 : memref<!tpu.dma_semaphore, #tpu.memory_space<semaphore_mem>>)
      %dma_wait3A = arith.constant 0 : i32
      %dma_wait3A_85 = tpu.memref_slice %arg7[%mul3A_76, %dma_wait3A] : memref<40x128xi32, #tpu.memory_space<vmem>> -> memref<1x128xi32, #tpu.memory_space<vmem>>
      %dma_wait3A_86 = tpu.memref_squeeze %dma_wait3A_85 : memref<1x128xi32, #tpu.memory_space<vmem>> -> memref<128xi32, #tpu.memory_space<vmem>>
      %dma_wait3A_87 = arith.constant 0 : i32
      %dma_wait3A_88 = arith.constant 0 : i32
      %dma_wait3A_89 = tpu.memref_slice %arg2[%dma_wait3A_87, %dma_wait3A_88] : memref<10240x128xf32, #tpu.memory_space<hbm>> -> memref<10240x128xf32, #tpu.memory_space<hbm>>
      tpu.wait_indirect_dma semaphore(%arg12 : memref<!tpu.dma_semaphore, #tpu.memory_space<semaphore_mem>>) src(%dma_wait3A_89 : memref<10240x128xf32, #tpu.memory_space<hbm>>) dst(%arg9 : memref<128x128xf32, #tpu.memory_space<vmem>>)
      "tpu.region"() ({
        %run_scoped3A = tpu.sem_alloc : memref<!tpu.dma_semaphore, #tpu.memory_space<semaphore_mem>>
        %dma_start3A_102 = arith.constant 0 : i32
        %dma_start3A_103 = tpu.memref_slice %arg8[%mul3A_76, %dma_start3A_102] : memref<40x128xi32, #tpu.memory_space<vmem>> -> memref<1x128xi32, #tpu.memory_space<vmem>>
        %dma_start3A_104 = tpu.memref_squeeze %dma_start3A_103 : memref<1x128xi32, #tpu.memory_space<vmem>> -> memref<128xi32, #tpu.memory_space<vmem>>
        %dma_start3A_105 = arith.constant 0 : i32
        %dma_start3A_106 = arith.constant 0 : i32
        %dma_start3A_107 = tpu.memref_slice %arg11[%dma_start3A_105, %dma_start3A_106] : memref<10240x128xf32, #tpu.memory_space<vmem_shared>> -> memref<10240x128xf32, #tpu.memory_space<vmem_shared>>
        tpu.enqueue_indirect_dma source(%arg9 : memref<128x128xf32, #tpu.memory_space<vmem>>) target(%dma_start3A_107 : memref<10240x128xf32, #tpu.memory_space<vmem_shared>>) offsets(%dma_start3A_104 : memref<128xi32, #tpu.memory_space<vmem>>) semaphore(%run_scoped3A : memref<!tpu.dma_semaphore, #tpu.memory_space<semaphore_mem>>) {add = true}
        %dma_wait3A_108 = arith.constant 0 : i32
        %dma_wait3A_109 = tpu.memref_slice %arg8[%mul3A_76, %dma_wait3A_108] : memref<40x128xi32, #tpu.memory_space<vmem>> -> memref<1x128xi32, #tpu.memory_space<vmem>>
        %dma_wait3A_110 = tpu.memref_squeeze %dma_wait3A_109 : memref<1x128xi32, #tpu.memory_space<vmem>> -> memref<128xi32, #tpu.memory_space<vmem>>
        %dma_wait3A_111 = arith.constant 0 : i32
        %dma_wait3A_112 = arith.constant 0 : i32
        %dma_wait3A_113 = tpu.memref_slice %arg11[%dma_wait3A_111, %dma_wait3A_112] : memref<10240x128xf32, #tpu.memory_space<vmem_shared>> -> memref<10240x128xf32, #tpu.memory_space<vmem_shared>>
        tpu.wait_indirect_dma semaphore(%run_scoped3A : memref<!tpu.dma_semaphore, #tpu.memory_space<semaphore_mem>>) src(%arg9 : memref<128x128xf32, #tpu.memory_space<vmem>>) dst(%dma_wait3A_113 : memref<10240x128xf32, #tpu.memory_space<vmem_shared>>)
        tpu.yield
      }) : () -> ()
      %lt3A = arith.constant 19 : i32
      %lt3A_90 = arith.cmpi slt, %scan3A_74, %lt3A : i32
      %convert_element_type3A = arith.extui %lt3A_90 : i1 to i32
      %cond3A = arith.constant 0 : i32
      %cond3A_91 = arith.cmpi ne, %convert_element_type3A, %cond3A : i32
      scf.if %cond3A_91 {
        %add3A_102 = arith.constant 2 : i32
        %add3A_103 = arith.addi %mul3A_76, %add3A_102 : i32
        %dma_start3A_104 = arith.constant 0 : i32
        %dma_start3A_105 = tpu.memref_slice %arg7[%add3A_103, %dma_start3A_104] : memref<40x128xi32, #tpu.memory_space<vmem>> -> memref<1x128xi32, #tpu.memory_space<vmem>>
        %dma_start3A_106 = tpu.memref_squeeze %dma_start3A_105 : memref<1x128xi32, #tpu.memory_space<vmem>> -> memref<128xi32, #tpu.memory_space<vmem>>
        %dma_start3A_107 = arith.constant 0 : i32
        %dma_start3A_108 = arith.constant 0 : i32
        %dma_start3A_109 = tpu.memref_slice %arg2[%dma_start3A_107, %dma_start3A_108] : memref<10240x128xf32, #tpu.memory_space<hbm>> -> memref<10240x128xf32, #tpu.memory_space<hbm>>
        tpu.enqueue_indirect_dma source(%dma_start3A_109 : memref<10240x128xf32, #tpu.memory_space<hbm>>) target(%arg9 : memref<128x128xf32, #tpu.memory_space<vmem>>) offsets(%dma_start3A_106 : memref<128xi32, #tpu.memory_space<vmem>>) semaphore(%arg12 : memref<!tpu.dma_semaphore, #tpu.memory_space<semaphore_mem>>)
      } else {
      }
      %add3A_92 = arith.constant 1 : i32
      %add3A_93 = arith.addi %mul3A_76, %add3A_92 : i32
      %dma_wait3A_94 = arith.constant 0 : i32
      %dma_wait3A_95 = tpu.memref_slice %arg7[%add3A_93, %dma_wait3A_94] : memref<40x128xi32, #tpu.memory_space<vmem>> -> memref<1x128xi32, #tpu.memory_space<vmem>>
      %dma_wait3A_96 = tpu.memref_squeeze %dma_wait3A_95 : memref<1x128xi32, #tpu.memory_space<vmem>> -> memref<128xi32, #tpu.memory_space<vmem>>
      %dma_wait3A_97 = arith.constant 0 : i32
      %dma_wait3A_98 = arith.constant 0 : i32
      %dma_wait3A_99 = tpu.memref_slice %arg2[%dma_wait3A_97, %dma_wait3A_98] : memref<10240x128xf32, #tpu.memory_space<hbm>> -> memref<10240x128xf32, #tpu.memory_space<hbm>>
      tpu.wait_indirect_dma semaphore(%arg13 : memref<!tpu.dma_semaphore, #tpu.memory_space<semaphore_mem>>) src(%dma_wait3A_99 : memref<10240x128xf32, #tpu.memory_space<hbm>>) dst(%arg10 : memref<128x128xf32, #tpu.memory_space<vmem>>)
      %add3A_100 = arith.constant 1 : i32
      %add3A_101 = arith.addi %mul3A_76, %add3A_100 : i32
      "tpu.region"() ({
        %run_scoped3A = tpu.sem_alloc : memref<!tpu.dma_semaphore, #tpu.memory_space<semaphore_mem>>
        %dma_start3A_102 = arith.constant 0 : i32
        %dma_start3A_103 = tpu.memref_slice %arg8[%add3A_101, %dma_start3A_102] : memref<40x128xi32, #tpu.memory_space<vmem>> -> memref<1x128xi32, #tpu.memory_space<vmem>>
        %dma_start3A_104 = tpu.memref_squeeze %dma_start3A_103 : memref<1x128xi32, #tpu.memory_space<vmem>> -> memref<128xi32, #tpu.memory_space<vmem>>
        %dma_start3A_105 = arith.constant 0 : i32
        %dma_start3A_106 = arith.constant 0 : i32
        %dma_start3A_107 = tpu.memref_slice %arg11[%dma_start3A_105, %dma_start3A_106] : memref<10240x128xf32, #tpu.memory_space<vmem_shared>> -> memref<10240x128xf32, #tpu.memory_space<vmem_shared>>
        tpu.enqueue_indirect_dma source(%arg10 : memref<128x128xf32, #tpu.memory_space<vmem>>) target(%dma_start3A_107 : memref<10240x128xf32, #tpu.memory_space<vmem_shared>>) offsets(%dma_start3A_104 : memref<128xi32, #tpu.memory_space<vmem>>) semaphore(%run_scoped3A : memref<!tpu.dma_semaphore, #tpu.memory_space<semaphore_mem>>) {add = true}
        %dma_wait3A_108 = arith.constant 0 : i32
        %dma_wait3A_109 = tpu.memref_slice %arg8[%add3A_101, %dma_wait3A_108] : memref<40x128xi32, #tpu.memory_space<vmem>> -> memref<1x128xi32, #tpu.memory_space<vmem>>
        %dma_wait3A_110 = tpu.memref_squeeze %dma_wait3A_109 : memref<1x128xi32, #tpu.memory_space<vmem>> -> memref<128xi32, #tpu.memory_space<vmem>>
        %dma_wait3A_111 = arith.constant 0 : i32
        %dma_wait3A_112 = arith.constant 0 : i32
        %dma_wait3A_113 = tpu.memref_slice %arg11[%dma_wait3A_111, %dma_wait3A_112] : memref<10240x128xf32, #tpu.memory_space<vmem_shared>> -> memref<10240x128xf32, #tpu.memory_space<vmem_shared>>
        tpu.wait_indirect_dma semaphore(%run_scoped3A : memref<!tpu.dma_semaphore, #tpu.memory_space<semaphore_mem>>) src(%arg10 : memref<128x128xf32, #tpu.memory_space<vmem>>) dst(%dma_wait3A_113 : memref<10240x128xf32, #tpu.memory_space<vmem_shared>>)
        tpu.yield
      }) : () -> ()
    }
    %scan3A_31 = arith.constant 20 : i32
    %mul3A_32 = arith.constant 80 : i32
    %mul3A_33 = arith.muli %add3A, %mul3A_32 : i32
    %add3A_34 = arith.constant 40 : i32
    %add3A_35 = arith.addi %mul3A_33, %add3A_34 : i32
    "tpu.region"() ({
      %run_scoped3A = tpu.sem_alloc : memref<!tpu.dma_semaphore, #tpu.memory_space<semaphore_mem>>
      %dma_start3A_74 = arith.constant 0 : i32
      %dma_start3A_75 = tpu.memref_slice %arg3[%add3A_35, %dma_start3A_74] : memref<2560x128xi32, #tpu.memory_space<hbm>> -> memref<40x128xi32, #tpu.memory_space<hbm>>
      %dma_start3A_76 = arith.constant 0 : i32
      %dma_start3A_77 = tpu.memref_slice %arg3[%add3A_35, %dma_start3A_76] : memref<2560x128xi32, #tpu.memory_space<hbm>> -> memref<40x128xi32, #tpu.memory_space<hbm>>
      tpu.enqueue_dma source(%dma_start3A_77 : memref<40x128xi32, #tpu.memory_space<hbm>>) target(%arg7 : memref<40x128xi32, #tpu.memory_space<vmem>>) target_semaphore(%run_scoped3A : memref<!tpu.dma_semaphore, #tpu.memory_space<semaphore_mem>>)
      %dma_wait3A = arith.constant 0 : i32
      %dma_wait3A_78 = tpu.memref_slice %arg3[%add3A_35, %dma_wait3A] : memref<2560x128xi32, #tpu.memory_space<hbm>> -> memref<40x128xi32, #tpu.memory_space<hbm>>
      %dma_wait3A_79 = arith.constant 0 : i32
      %dma_wait3A_80 = tpu.memref_slice %arg3[%add3A_35, %dma_wait3A_79] : memref<2560x128xi32, #tpu.memory_space<hbm>> -> memref<40x128xi32, #tpu.memory_space<hbm>>
      tpu.wait_dma2 semaphore(%run_scoped3A : memref<!tpu.dma_semaphore, #tpu.memory_space<semaphore_mem>>) src(%dma_wait3A_80 : memref<40x128xi32, #tpu.memory_space<hbm>>) dst(%arg7 : memref<40x128xi32, #tpu.memory_space<vmem>>)
      tpu.yield
    }) : () -> ()
    %mul3A_36 = arith.constant 80 : i32
    %mul3A_37 = arith.muli %add3A, %mul3A_36 : i32
    %add3A_38 = arith.constant 40 : i32
    %add3A_39 = arith.addi %mul3A_37, %add3A_38 : i32
    "tpu.region"() ({
      %run_scoped3A = tpu.sem_alloc : memref<!tpu.dma_semaphore, #tpu.memory_space<semaphore_mem>>
      %dma_start3A_74 = arith.constant 0 : i32
      %dma_start3A_75 = tpu.memref_slice %arg4[%add3A_39, %dma_start3A_74] : memref<2560x128xi32, #tpu.memory_space<hbm>> -> memref<40x128xi32, #tpu.memory_space<hbm>>
      %dma_start3A_76 = arith.constant 0 : i32
      %dma_start3A_77 = tpu.memref_slice %arg4[%add3A_39, %dma_start3A_76] : memref<2560x128xi32, #tpu.memory_space<hbm>> -> memref<40x128xi32, #tpu.memory_space<hbm>>
      tpu.enqueue_dma source(%dma_start3A_77 : memref<40x128xi32, #tpu.memory_space<hbm>>) target(%arg8 : memref<40x128xi32, #tpu.memory_space<vmem>>) target_semaphore(%run_scoped3A : memref<!tpu.dma_semaphore, #tpu.memory_space<semaphore_mem>>)
      %dma_wait3A = arith.constant 0 : i32
      %dma_wait3A_78 = tpu.memref_slice %arg4[%add3A_39, %dma_wait3A] : memref<2560x128xi32, #tpu.memory_space<hbm>> -> memref<40x128xi32, #tpu.memory_space<hbm>>
      %dma_wait3A_79 = arith.constant 0 : i32
      %dma_wait3A_80 = tpu.memref_slice %arg4[%add3A_39, %dma_wait3A_79] : memref<2560x128xi32, #tpu.memory_space<hbm>> -> memref<40x128xi32, #tpu.memory_space<hbm>>
      tpu.wait_dma2 semaphore(%run_scoped3A : memref<!tpu.dma_semaphore, #tpu.memory_space<semaphore_mem>>) src(%dma_wait3A_80 : memref<40x128xi32, #tpu.memory_space<hbm>>) dst(%arg8 : memref<40x128xi32, #tpu.memory_space<vmem>>)
      tpu.yield
    }) : () -> ()
    %dma_start3A_40 = arith.constant 0 : i32
    %dma_start3A_41 = arith.constant 0 : i32
    %dma_start3A_42 = tpu.memref_slice %arg7[%dma_start3A_40, %dma_start3A_41] : memref<40x128xi32, #tpu.memory_space<vmem>> -> memref<1x128xi32, #tpu.memory_space<vmem>>
    %dma_start3A_43 = tpu.memref_squeeze %dma_start3A_42 : memref<1x128xi32, #tpu.memory_space<vmem>> -> memref<128xi32, #tpu.memory_space<vmem>>
    %dma_start3A_44 = arith.constant 0 : i32
    %dma_start3A_45 = arith.constant 0 : i32
    %dma_start3A_46 = tpu.memref_slice %arg2[%dma_start3A_44, %dma_start3A_45] : memref<10240x128xf32, #tpu.memory_space<hbm>> -> memref<10240x128xf32, #tpu.memory_space<hbm>>
    tpu.enqueue_indirect_dma source(%dma_start3A_46 : memref<10240x128xf32, #tpu.memory_space<hbm>>) target(%arg9 : memref<128x128xf32, #tpu.memory_space<vmem>>) offsets(%dma_start3A_43 : memref<128xi32, #tpu.memory_space<vmem>>) semaphore(%arg12 : memref<!tpu.dma_semaphore, #tpu.memory_space<semaphore_mem>>)
    %scan3A_47 = arith.constant 0 : i32
    %scan3A_48 = arith.constant 0 : i32
    %scan3A_49 = arith.constant 20 : i32
    %scan3A_50 = arith.addi %scan3A_48, %scan3A_49 : i32
    %scan3A_51 = arith.constant 1 : i32
    scf.for %scan3A_74 = %scan3A_48 to %scan3A_50 step %scan3A_51  : i32 {
      %mul3A_75 = arith.constant 2 : i32
      %mul3A_76 = arith.muli %mul3A_75, %scan3A_74 : i32
      %add3A_77 = arith.constant 1 : i32
      %add3A_78 = arith.addi %mul3A_76, %add3A_77 : i32
      %dma_start3A_79 = arith.constant 0 : i32
      %dma_start3A_80 = tpu.memref_slice %arg7[%add3A_78, %dma_start3A_79] : memref<40x128xi32, #tpu.memory_space<vmem>> -> memref<1x128xi32, #tpu.memory_space<vmem>>
      %dma_start3A_81 = tpu.memref_squeeze %dma_start3A_80 : memref<1x128xi32, #tpu.memory_space<vmem>> -> memref<128xi32, #tpu.memory_space<vmem>>
      %dma_start3A_82 = arith.constant 0 : i32
      %dma_start3A_83 = arith.constant 0 : i32
      %dma_start3A_84 = tpu.memref_slice %arg2[%dma_start3A_82, %dma_start3A_83] : memref<10240x128xf32, #tpu.memory_space<hbm>> -> memref<10240x128xf32, #tpu.memory_space<hbm>>
      tpu.enqueue_indirect_dma source(%dma_start3A_84 : memref<10240x128xf32, #tpu.memory_space<hbm>>) target(%arg10 : memref<128x128xf32, #tpu.memory_space<vmem>>) offsets(%dma_start3A_81 : memref<128xi32, #tpu.memory_space<vmem>>) semaphore(%arg13 : memref<!tpu.dma_semaphore, #tpu.memory_space<semaphore_mem>>)
      %dma_wait3A = arith.constant 0 : i32
      %dma_wait3A_85 = tpu.memref_slice %arg7[%mul3A_76, %dma_wait3A] : memref<40x128xi32, #tpu.memory_space<vmem>> -> memref<1x128xi32, #tpu.memory_space<vmem>>
      %dma_wait3A_86 = tpu.memref_squeeze %dma_wait3A_85 : memref<1x128xi32, #tpu.memory_space<vmem>> -> memref<128xi32, #tpu.memory_space<vmem>>
      %dma_wait3A_87 = arith.constant 0 : i32
      %dma_wait3A_88 = arith.constant 0 : i32
      %dma_wait3A_89 = tpu.memref_slice %arg2[%dma_wait3A_87, %dma_wait3A_88] : memref<10240x128xf32, #tpu.memory_space<hbm>> -> memref<10240x128xf32, #tpu.memory_space<hbm>>
      tpu.wait_indirect_dma semaphore(%arg12 : memref<!tpu.dma_semaphore, #tpu.memory_space<semaphore_mem>>) src(%dma_wait3A_89 : memref<10240x128xf32, #tpu.memory_space<hbm>>) dst(%arg9 : memref<128x128xf32, #tpu.memory_space<vmem>>)
      "tpu.region"() ({
        %run_scoped3A = tpu.sem_alloc : memref<!tpu.dma_semaphore, #tpu.memory_space<semaphore_mem>>
        %dma_start3A_102 = arith.constant 0 : i32
        %dma_start3A_103 = tpu.memref_slice %arg8[%mul3A_76, %dma_start3A_102] : memref<40x128xi32, #tpu.memory_space<vmem>> -> memref<1x128xi32, #tpu.memory_space<vmem>>
        %dma_start3A_104 = tpu.memref_squeeze %dma_start3A_103 : memref<1x128xi32, #tpu.memory_space<vmem>> -> memref<128xi32, #tpu.memory_space<vmem>>
        %dma_start3A_105 = arith.constant 0 : i32
        %dma_start3A_106 = arith.constant 0 : i32
        %dma_start3A_107 = tpu.memref_slice %arg11[%dma_start3A_105, %dma_start3A_106] : memref<10240x128xf32, #tpu.memory_space<vmem_shared>> -> memref<10240x128xf32, #tpu.memory_space<vmem_shared>>
        tpu.enqueue_indirect_dma source(%arg9 : memref<128x128xf32, #tpu.memory_space<vmem>>) target(%dma_start3A_107 : memref<10240x128xf32, #tpu.memory_space<vmem_shared>>) offsets(%dma_start3A_104 : memref<128xi32, #tpu.memory_space<vmem>>) semaphore(%run_scoped3A : memref<!tpu.dma_semaphore, #tpu.memory_space<semaphore_mem>>) {add = true}
        %dma_wait3A_108 = arith.constant 0 : i32
        %dma_wait3A_109 = tpu.memref_slice %arg8[%mul3A_76, %dma_wait3A_108] : memref<40x128xi32, #tpu.memory_space<vmem>> -> memref<1x128xi32, #tpu.memory_space<vmem>>
        %dma_wait3A_110 = tpu.memref_squeeze %dma_wait3A_109 : memref<1x128xi32, #tpu.memory_space<vmem>> -> memref<128xi32, #tpu.memory_space<vmem>>
        %dma_wait3A_111 = arith.constant 0 : i32
        %dma_wait3A_112 = arith.constant 0 : i32
        %dma_wait3A_113 = tpu.memref_slice %arg11[%dma_wait3A_111, %dma_wait3A_112] : memref<10240x128xf32, #tpu.memory_space<vmem_shared>> -> memref<10240x128xf32, #tpu.memory_space<vmem_shared>>
        tpu.wait_indirect_dma semaphore(%run_scoped3A : memref<!tpu.dma_semaphore, #tpu.memory_space<semaphore_mem>>) src(%arg9 : memref<128x128xf32, #tpu.memory_space<vmem>>) dst(%dma_wait3A_113 : memref<10240x128xf32, #tpu.memory_space<vmem_shared>>)
        tpu.yield
      }) : () -> ()
      %lt3A = arith.constant 19 : i32
      %lt3A_90 = arith.cmpi slt, %scan3A_74, %lt3A : i32
      %convert_element_type3A = arith.extui %lt3A_90 : i1 to i32
      %cond3A = arith.constant 0 : i32
      %cond3A_91 = arith.cmpi ne, %convert_element_type3A, %cond3A : i32
      scf.if %cond3A_91 {
        %add3A_102 = arith.constant 2 : i32
        %add3A_103 = arith.addi %mul3A_76, %add3A_102 : i32
        %dma_start3A_104 = arith.constant 0 : i32
        %dma_start3A_105 = tpu.memref_slice %arg7[%add3A_103, %dma_start3A_104] : memref<40x128xi32, #tpu.memory_space<vmem>> -> memref<1x128xi32, #tpu.memory_space<vmem>>
        %dma_start3A_106 = tpu.memref_squeeze %dma_start3A_105 : memref<1x128xi32, #tpu.memory_space<vmem>> -> memref<128xi32, #tpu.memory_space<vmem>>
        %dma_start3A_107 = arith.constant 0 : i32
        %dma_start3A_108 = arith.constant 0 : i32
        %dma_start3A_109 = tpu.memref_slice %arg2[%dma_start3A_107, %dma_start3A_108] : memref<10240x128xf32, #tpu.memory_space<hbm>> -> memref<10240x128xf32, #tpu.memory_space<hbm>>
        tpu.enqueue_indirect_dma source(%dma_start3A_109 : memref<10240x128xf32, #tpu.memory_space<hbm>>) target(%arg9 : memref<128x128xf32, #tpu.memory_space<vmem>>) offsets(%dma_start3A_106 : memref<128xi32, #tpu.memory_space<vmem>>) semaphore(%arg12 : memref<!tpu.dma_semaphore, #tpu.memory_space<semaphore_mem>>)
      } else {
      }
      %add3A_92 = arith.constant 1 : i32
      %add3A_93 = arith.addi %mul3A_76, %add3A_92 : i32
      %dma_wait3A_94 = arith.constant 0 : i32
      %dma_wait3A_95 = tpu.memref_slice %arg7[%add3A_93, %dma_wait3A_94] : memref<40x128xi32, #tpu.memory_space<vmem>> -> memref<1x128xi32, #tpu.memory_space<vmem>>
      %dma_wait3A_96 = tpu.memref_squeeze %dma_wait3A_95 : memref<1x128xi32, #tpu.memory_space<vmem>> -> memref<128xi32, #tpu.memory_space<vmem>>
      %dma_wait3A_97 = arith.constant 0 : i32
      %dma_wait3A_98 = arith.constant 0 : i32
      %dma_wait3A_99 = tpu.memref_slice %arg2[%dma_wait3A_97, %dma_wait3A_98] : memref<10240x128xf32, #tpu.memory_space<hbm>> -> memref<10240x128xf32, #tpu.memory_space<hbm>>
      tpu.wait_indirect_dma semaphore(%arg13 : memref<!tpu.dma_semaphore, #tpu.memory_space<semaphore_mem>>) src(%dma_wait3A_99 : memref<10240x128xf32, #tpu.memory_space<hbm>>) dst(%arg10 : memref<128x128xf32, #tpu.memory_space<vmem>>)
      %add3A_100 = arith.constant 1 : i32
      %add3A_101 = arith.addi %mul3A_76, %add3A_100 : i32
      "tpu.region"() ({
        %run_scoped3A = tpu.sem_alloc : memref<!tpu.dma_semaphore, #tpu.memory_space<semaphore_mem>>
        %dma_start3A_102 = arith.constant 0 : i32
        %dma_start3A_103 = tpu.memref_slice %arg8[%add3A_101, %dma_start3A_102] : memref<40x128xi32, #tpu.memory_space<vmem>> -> memref<1x128xi32, #tpu.memory_space<vmem>>
        %dma_start3A_104 = tpu.memref_squeeze %dma_start3A_103 : memref<1x128xi32, #tpu.memory_space<vmem>> -> memref<128xi32, #tpu.memory_space<vmem>>
        %dma_start3A_105 = arith.constant 0 : i32
        %dma_start3A_106 = arith.constant 0 : i32
        %dma_start3A_107 = tpu.memref_slice %arg11[%dma_start3A_105, %dma_start3A_106] : memref<10240x128xf32, #tpu.memory_space<vmem_shared>> -> memref<10240x128xf32, #tpu.memory_space<vmem_shared>>
        tpu.enqueue_indirect_dma source(%arg10 : memref<128x128xf32, #tpu.memory_space<vmem>>) target(%dma_start3A_107 : memref<10240x128xf32, #tpu.memory_space<vmem_shared>>) offsets(%dma_start3A_104 : memref<128xi32, #tpu.memory_space<vmem>>) semaphore(%run_scoped3A : memref<!tpu.dma_semaphore, #tpu.memory_space<semaphore_mem>>) {add = true}
        %dma_wait3A_108 = arith.constant 0 : i32
        %dma_wait3A_109 = tpu.memref_slice %arg8[%add3A_101, %dma_wait3A_108] : memref<40x128xi32, #tpu.memory_space<vmem>> -> memref<1x128xi32, #tpu.memory_space<vmem>>
        %dma_wait3A_110 = tpu.memref_squeeze %dma_wait3A_109 : memref<1x128xi32, #tpu.memory_space<vmem>> -> memref<128xi32, #tpu.memory_space<vmem>>
        %dma_wait3A_111 = arith.constant 0 : i32
        %dma_wait3A_112 = arith.constant 0 : i32
        %dma_wait3A_113 = tpu.memref_slice %arg11[%dma_wait3A_111, %dma_wait3A_112] : memref<10240x128xf32, #tpu.memory_space<vmem_shared>> -> memref<10240x128xf32, #tpu.memory_space<vmem_shared>>
        tpu.wait_indirect_dma semaphore(%run_scoped3A : memref<!tpu.dma_semaphore, #tpu.memory_space<semaphore_mem>>) src(%arg10 : memref<128x128xf32, #tpu.memory_space<vmem>>) dst(%dma_wait3A_113 : memref<10240x128xf32, #tpu.memory_space<vmem_shared>>)
        tpu.yield
      }) : () -> ()
    }
    %scan3A_52 = arith.constant 20 : i32
    %barrier3A_53 = arith.constant 0 : index
    tpu.barrier barrier_id(%barrier3A_53)
    %add3A_54 = arith.constant 0 : i32
    %add3A_55 = arith.addi %mul3A_2, %add3A_54 : i32
    "tpu.region"() ({
      %run_scoped3A = tpu.sem_alloc : memref<!tpu.dma_semaphore, #tpu.memory_space<semaphore_mem>>
      %dma_start3A_74 = arith.constant 0 : i32
      %dma_start3A_75 = tpu.memref_slice %arg11[%add3A_55, %dma_start3A_74] : memref<10240x128xf32, #tpu.memory_space<vmem_shared>> -> memref<128x128xf32, #tpu.memory_space<vmem_shared>>
      %dma_start3A_76 = arith.constant 0 : i32
      %dma_start3A_77 = tpu.memref_slice %arg11[%add3A_55, %dma_start3A_76] : memref<10240x128xf32, #tpu.memory_space<vmem_shared>> -> memref<128x128xf32, #tpu.memory_space<vmem_shared>>
      tpu.enqueue_dma source(%dma_start3A_77 : memref<128x128xf32, #tpu.memory_space<vmem_shared>>) target(%arg9 : memref<128x128xf32, #tpu.memory_space<vmem>>) target_semaphore(%run_scoped3A : memref<!tpu.dma_semaphore, #tpu.memory_space<semaphore_mem>>)
      %dma_wait3A = arith.constant 0 : i32
      %dma_wait3A_78 = tpu.memref_slice %arg11[%add3A_55, %dma_wait3A] : memref<10240x128xf32, #tpu.memory_space<vmem_shared>> -> memref<128x128xf32, #tpu.memory_space<vmem_shared>>
      %dma_wait3A_79 = arith.constant 0 : i32
      %dma_wait3A_80 = tpu.memref_slice %arg11[%add3A_55, %dma_wait3A_79] : memref<10240x128xf32, #tpu.memory_space<vmem_shared>> -> memref<128x128xf32, #tpu.memory_space<vmem_shared>>
      tpu.wait_dma2 semaphore(%run_scoped3A : memref<!tpu.dma_semaphore, #tpu.memory_space<semaphore_mem>>) src(%dma_wait3A_80 : memref<128x128xf32, #tpu.memory_space<vmem_shared>>) dst(%arg9 : memref<128x128xf32, #tpu.memory_space<vmem>>)
      tpu.yield
    }) : () -> ()
    %add3A_56 = arith.constant 0 : i32
    %add3A_57 = arith.addi %mul3A_2, %add3A_56 : i32
    "tpu.region"() ({
      %run_scoped3A = tpu.sem_alloc : memref<!tpu.dma_semaphore, #tpu.memory_space<semaphore_mem>>
      %dma_start3A_74 = arith.constant 0 : i32
      %dma_start3A_75 = tpu.memref_slice %arg6[%arg0, %add3A_57, %dma_start3A_74] : memref<2x10240x128xf32, #tpu.memory_space<hbm>> -> memref<1x128x128xf32, #tpu.memory_space<hbm>>
      %dma_start3A_76 = tpu.memref_squeeze %dma_start3A_75 : memref<1x128x128xf32, #tpu.memory_space<hbm>> -> memref<128x128xf32, #tpu.memory_space<hbm>>
      %dma_start3A_77 = arith.constant 0 : i32
      %dma_start3A_78 = tpu.memref_slice %arg6[%arg0, %add3A_57, %dma_start3A_77] : memref<2x10240x128xf32, #tpu.memory_space<hbm>> -> memref<1x128x128xf32, #tpu.memory_space<hbm>>
      %dma_start3A_79 = tpu.memref_squeeze %dma_start3A_78 : memref<1x128x128xf32, #tpu.memory_space<hbm>> -> memref<128x128xf32, #tpu.memory_space<hbm>>
      tpu.enqueue_dma source(%arg9 : memref<128x128xf32, #tpu.memory_space<vmem>>) target(%dma_start3A_79 : memref<128x128xf32, #tpu.memory_space<hbm>>) target_semaphore(%run_scoped3A : memref<!tpu.dma_semaphore, #tpu.memory_space<semaphore_mem>>)
      %dma_wait3A = arith.constant 0 : i32
      %dma_wait3A_80 = tpu.memref_slice %arg6[%arg0, %add3A_57, %dma_wait3A] : memref<2x10240x128xf32, #tpu.memory_space<hbm>> -> memref<1x128x128xf32, #tpu.memory_space<hbm>>
      %dma_wait3A_81 = tpu.memref_squeeze %dma_wait3A_80 : memref<1x128x128xf32, #tpu.memory_space<hbm>> -> memref<128x128xf32, #tpu.memory_space<hbm>>
      %dma_wait3A_82 = arith.constant 0 : i32
      %dma_wait3A_83 = tpu.memref_slice %arg6[%arg0, %add3A_57, %dma_wait3A_82] : memref<2x10240x128xf32, #tpu.memory_space<hbm>> -> memref<1x128x128xf32, #tpu.memory_space<hbm>>
      %dma_wait3A_84 = tpu.memref_squeeze %dma_wait3A_83 : memref<1x128x128xf32, #tpu.memory_space<hbm>> -> memref<128x128xf32, #tpu.memory_space<hbm>>
      tpu.wait_dma2 semaphore(%run_scoped3A : memref<!tpu.dma_semaphore, #tpu.memory_space<semaphore_mem>>) src(%arg9 : memref<128x128xf32, #tpu.memory_space<vmem>>) dst(%dma_wait3A_84 : memref<128x128xf32, #tpu.memory_space<hbm>>)
      tpu.yield
    }) : () -> ()
    %add3A_58 = arith.constant 128 : i32
    %add3A_59 = arith.addi %mul3A_2, %add3A_58 : i32
    "tpu.region"() ({
      %run_scoped3A = tpu.sem_alloc : memref<!tpu.dma_semaphore, #tpu.memory_space<semaphore_mem>>
      %dma_start3A_74 = arith.constant 0 : i32
      %dma_start3A_75 = tpu.memref_slice %arg11[%add3A_59, %dma_start3A_74] : memref<10240x128xf32, #tpu.memory_space<vmem_shared>> -> memref<128x128xf32, #tpu.memory_space<vmem_shared>>
      %dma_start3A_76 = arith.constant 0 : i32
      %dma_start3A_77 = tpu.memref_slice %arg11[%add3A_59, %dma_start3A_76] : memref<10240x128xf32, #tpu.memory_space<vmem_shared>> -> memref<128x128xf32, #tpu.memory_space<vmem_shared>>
      tpu.enqueue_dma source(%dma_start3A_77 : memref<128x128xf32, #tpu.memory_space<vmem_shared>>) target(%arg9 : memref<128x128xf32, #tpu.memory_space<vmem>>) target_semaphore(%run_scoped3A : memref<!tpu.dma_semaphore, #tpu.memory_space<semaphore_mem>>)
      %dma_wait3A = arith.constant 0 : i32
      %dma_wait3A_78 = tpu.memref_slice %arg11[%add3A_59, %dma_wait3A] : memref<10240x128xf32, #tpu.memory_space<vmem_shared>> -> memref<128x128xf32, #tpu.memory_space<vmem_shared>>
      %dma_wait3A_79 = arith.constant 0 : i32
      %dma_wait3A_80 = tpu.memref_slice %arg11[%add3A_59, %dma_wait3A_79] : memref<10240x128xf32, #tpu.memory_space<vmem_shared>> -> memref<128x128xf32, #tpu.memory_space<vmem_shared>>
      tpu.wait_dma2 semaphore(%run_scoped3A : memref<!tpu.dma_semaphore, #tpu.memory_space<semaphore_mem>>) src(%dma_wait3A_80 : memref<128x128xf32, #tpu.memory_space<vmem_shared>>) dst(%arg9 : memref<128x128xf32, #tpu.memory_space<vmem>>)
      tpu.yield
    }) : () -> ()
    %add3A_60 = arith.constant 128 : i32
    %add3A_61 = arith.addi %mul3A_2, %add3A_60 : i32
    "tpu.region"() ({
      %run_scoped3A = tpu.sem_alloc : memref<!tpu.dma_semaphore, #tpu.memory_space<semaphore_mem>>
      %dma_start3A_74 = arith.constant 0 : i32
      %dma_start3A_75 = tpu.memref_slice %arg6[%arg0, %add3A_61, %dma_start3A_74] : memref<2x10240x128xf32, #tpu.memory_space<hbm>> -> memref<1x128x128xf32, #tpu.memory_space<hbm>>
      %dma_start3A_76 = tpu.memref_squeeze %dma_start3A_75 : memref<1x128x128xf32, #tpu.memory_space<hbm>> -> memref<128x128xf32, #tpu.memory_space<hbm>>
      %dma_start3A_77 = arith.constant 0 : i32
      %dma_start3A_78 = tpu.memref_slice %arg6[%arg0, %add3A_61, %dma_start3A_77] : memref<2x10240x128xf32, #tpu.memory_space<hbm>> -> memref<1x128x128xf32, #tpu.memory_space<hbm>>
      %dma_start3A_79 = tpu.memref_squeeze %dma_start3A_78 : memref<1x128x128xf32, #tpu.memory_space<hbm>> -> memref<128x128xf32, #tpu.memory_space<hbm>>
      tpu.enqueue_dma source(%arg9 : memref<128x128xf32, #tpu.memory_space<vmem>>) target(%dma_start3A_79 : memref<128x128xf32, #tpu.memory_space<hbm>>) target_semaphore(%run_scoped3A : memref<!tpu.dma_semaphore, #tpu.memory_space<semaphore_mem>>)
      %dma_wait3A = arith.constant 0 : i32
      %dma_wait3A_80 = tpu.memref_slice %arg6[%arg0, %add3A_61, %dma_wait3A] : memref<2x10240x128xf32, #tpu.memory_space<hbm>> -> memref<1x128x128xf32, #tpu.memory_space<hbm>>
      %dma_wait3A_81 = tpu.memref_squeeze %dma_wait3A_80 : memref<1x128x128xf32, #tpu.memory_space<hbm>> -> memref<128x128xf32, #tpu.memory_space<hbm>>
      %dma_wait3A_82 = arith.constant 0 : i32
      %dma_wait3A_83 = tpu.memref_slice %arg6[%arg0, %add3A_61, %dma_wait3A_82] : memref<2x10240x128xf32, #tpu.memory_space<hbm>> -> memref<1x128x128xf32, #tpu.memory_space<hbm>>
      %dma_wait3A_84 = tpu.memref_squeeze %dma_wait3A_83 : memref<1x128x128xf32, #tpu.memory_space<hbm>> -> memref<128x128xf32, #tpu.memory_space<hbm>>
      tpu.wait_dma2 semaphore(%run_scoped3A : memref<!tpu.dma_semaphore, #tpu.memory_space<semaphore_mem>>) src(%arg9 : memref<128x128xf32, #tpu.memory_space<vmem>>) dst(%dma_wait3A_84 : memref<128x128xf32, #tpu.memory_space<hbm>>)
      tpu.yield
    }) : () -> ()
    %add3A_62 = arith.constant 256 : i32
    %add3A_63 = arith.addi %mul3A_2, %add3A_62 : i32
    "tpu.region"() ({
      %run_scoped3A = tpu.sem_alloc : memref<!tpu.dma_semaphore, #tpu.memory_space<semaphore_mem>>
      %dma_start3A_74 = arith.constant 0 : i32
      %dma_start3A_75 = tpu.memref_slice %arg11[%add3A_63, %dma_start3A_74] : memref<10240x128xf32, #tpu.memory_space<vmem_shared>> -> memref<128x128xf32, #tpu.memory_space<vmem_shared>>
      %dma_start3A_76 = arith.constant 0 : i32
      %dma_start3A_77 = tpu.memref_slice %arg11[%add3A_63, %dma_start3A_76] : memref<10240x128xf32, #tpu.memory_space<vmem_shared>> -> memref<128x128xf32, #tpu.memory_space<vmem_shared>>
      tpu.enqueue_dma source(%dma_start3A_77 : memref<128x128xf32, #tpu.memory_space<vmem_shared>>) target(%arg9 : memref<128x128xf32, #tpu.memory_space<vmem>>) target_semaphore(%run_scoped3A : memref<!tpu.dma_semaphore, #tpu.memory_space<semaphore_mem>>)
      %dma_wait3A = arith.constant 0 : i32
      %dma_wait3A_78 = tpu.memref_slice %arg11[%add3A_63, %dma_wait3A] : memref<10240x128xf32, #tpu.memory_space<vmem_shared>> -> memref<128x128xf32, #tpu.memory_space<vmem_shared>>
      %dma_wait3A_79 = arith.constant 0 : i32
      %dma_wait3A_80 = tpu.memref_slice %arg11[%add3A_63, %dma_wait3A_79] : memref<10240x128xf32, #tpu.memory_space<vmem_shared>> -> memref<128x128xf32, #tpu.memory_space<vmem_shared>>
      tpu.wait_dma2 semaphore(%run_scoped3A : memref<!tpu.dma_semaphore, #tpu.memory_space<semaphore_mem>>) src(%dma_wait3A_80 : memref<128x128xf32, #tpu.memory_space<vmem_shared>>) dst(%arg9 : memref<128x128xf32, #tpu.memory_space<vmem>>)
      tpu.yield
    }) : () -> ()
    %add3A_64 = arith.constant 256 : i32
    %add3A_65 = arith.addi %mul3A_2, %add3A_64 : i32
    "tpu.region"() ({
      %run_scoped3A = tpu.sem_alloc : memref<!tpu.dma_semaphore, #tpu.memory_space<semaphore_mem>>
      %dma_start3A_74 = arith.constant 0 : i32
      %dma_start3A_75 = tpu.memref_slice %arg6[%arg0, %add3A_65, %dma_start3A_74] : memref<2x10240x128xf32, #tpu.memory_space<hbm>> -> memref<1x128x128xf32, #tpu.memory_space<hbm>>
      %dma_start3A_76 = tpu.memref_squeeze %dma_start3A_75 : memref<1x128x128xf32, #tpu.memory_space<hbm>> -> memref<128x128xf32, #tpu.memory_space<hbm>>
      %dma_start3A_77 = arith.constant 0 : i32
      %dma_start3A_78 = tpu.memref_slice %arg6[%arg0, %add3A_65, %dma_start3A_77] : memref<2x10240x128xf32, #tpu.memory_space<hbm>> -> memref<1x128x128xf32, #tpu.memory_space<hbm>>
      %dma_start3A_79 = tpu.memref_squeeze %dma_start3A_78 : memref<1x128x128xf32, #tpu.memory_space<hbm>> -> memref<128x128xf32, #tpu.memory_space<hbm>>
      tpu.enqueue_dma source(%arg9 : memref<128x128xf32, #tpu.memory_space<vmem>>) target(%dma_start3A_79 : memref<128x128xf32, #tpu.memory_space<hbm>>) target_semaphore(%run_scoped3A : memref<!tpu.dma_semaphore, #tpu.memory_space<semaphore_mem>>)
      %dma_wait3A = arith.constant 0 : i32
      %dma_wait3A_80 = tpu.memref_slice %arg6[%arg0, %add3A_65, %dma_wait3A] : memref<2x10240x128xf32, #tpu.memory_space<hbm>> -> memref<1x128x128xf32, #tpu.memory_space<hbm>>
      %dma_wait3A_81 = tpu.memref_squeeze %dma_wait3A_80 : memref<1x128x128xf32, #tpu.memory_space<hbm>> -> memref<128x128xf32, #tpu.memory_space<hbm>>
      %dma_wait3A_82 = arith.constant 0 : i32
      %dma_wait3A_83 = tpu.memref_slice %arg6[%arg0, %add3A_65, %dma_wait3A_82] : memref<2x10240x128xf32, #tpu.memory_space<hbm>> -> memref<1x128x128xf32, #tpu.memory_space<hbm>>
      %dma_wait3A_84 = tpu.memref_squeeze %dma_wait3A_83 : memref<1x128x128xf32, #tpu.memory_space<hbm>> -> memref<128x128xf32, #tpu.memory_space<hbm>>
      tpu.wait_dma2 semaphore(%run_scoped3A : memref<!tpu.dma_semaphore, #tpu.memory_space<semaphore_mem>>) src(%arg9 : memref<128x128xf32, #tpu.memory_space<vmem>>) dst(%dma_wait3A_84 : memref<128x128xf32, #tpu.memory_space<hbm>>)
      tpu.yield
    }) : () -> ()
    %add3A_66 = arith.constant 384 : i32
    %add3A_67 = arith.addi %mul3A_2, %add3A_66 : i32
    "tpu.region"() ({
      %run_scoped3A = tpu.sem_alloc : memref<!tpu.dma_semaphore, #tpu.memory_space<semaphore_mem>>
      %dma_start3A_74 = arith.constant 0 : i32
      %dma_start3A_75 = tpu.memref_slice %arg11[%add3A_67, %dma_start3A_74] : memref<10240x128xf32, #tpu.memory_space<vmem_shared>> -> memref<128x128xf32, #tpu.memory_space<vmem_shared>>
      %dma_start3A_76 = arith.constant 0 : i32
      %dma_start3A_77 = tpu.memref_slice %arg11[%add3A_67, %dma_start3A_76] : memref<10240x128xf32, #tpu.memory_space<vmem_shared>> -> memref<128x128xf32, #tpu.memory_space<vmem_shared>>
      tpu.enqueue_dma source(%dma_start3A_77 : memref<128x128xf32, #tpu.memory_space<vmem_shared>>) target(%arg9 : memref<128x128xf32, #tpu.memory_space<vmem>>) target_semaphore(%run_scoped3A : memref<!tpu.dma_semaphore, #tpu.memory_space<semaphore_mem>>)
      %dma_wait3A = arith.constant 0 : i32
      %dma_wait3A_78 = tpu.memref_slice %arg11[%add3A_67, %dma_wait3A] : memref<10240x128xf32, #tpu.memory_space<vmem_shared>> -> memref<128x128xf32, #tpu.memory_space<vmem_shared>>
      %dma_wait3A_79 = arith.constant 0 : i32
      %dma_wait3A_80 = tpu.memref_slice %arg11[%add3A_67, %dma_wait3A_79] : memref<10240x128xf32, #tpu.memory_space<vmem_shared>> -> memref<128x128xf32, #tpu.memory_space<vmem_shared>>
      tpu.wait_dma2 semaphore(%run_scoped3A : memref<!tpu.dma_semaphore, #tpu.memory_space<semaphore_mem>>) src(%dma_wait3A_80 : memref<128x128xf32, #tpu.memory_space<vmem_shared>>) dst(%arg9 : memref<128x128xf32, #tpu.memory_space<vmem>>)
      tpu.yield
    }) : () -> ()
    %add3A_68 = arith.constant 384 : i32
    %add3A_69 = arith.addi %mul3A_2, %add3A_68 : i32
    "tpu.region"() ({
      %run_scoped3A = tpu.sem_alloc : memref<!tpu.dma_semaphore, #tpu.memory_space<semaphore_mem>>
      %dma_start3A_74 = arith.constant 0 : i32
      %dma_start3A_75 = tpu.memref_slice %arg6[%arg0, %add3A_69, %dma_start3A_74] : memref<2x10240x128xf32, #tpu.memory_space<hbm>> -> memref<1x128x128xf32, #tpu.memory_space<hbm>>
      %dma_start3A_76 = tpu.memref_squeeze %dma_start3A_75 : memref<1x128x128xf32, #tpu.memory_space<hbm>> -> memref<128x128xf32, #tpu.memory_space<hbm>>
      %dma_start3A_77 = arith.constant 0 : i32
      %dma_start3A_78 = tpu.memref_slice %arg6[%arg0, %add3A_69, %dma_start3A_77] : memref<2x10240x128xf32, #tpu.memory_space<hbm>> -> memref<1x128x128xf32, #tpu.memory_space<hbm>>
      %dma_start3A_79 = tpu.memref_squeeze %dma_start3A_78 : memref<1x128x128xf32, #tpu.memory_space<hbm>> -> memref<128x128xf32, #tpu.memory_space<hbm>>
      tpu.enqueue_dma source(%arg9 : memref<128x128xf32, #tpu.memory_space<vmem>>) target(%dma_start3A_79 : memref<128x128xf32, #tpu.memory_space<hbm>>) target_semaphore(%run_scoped3A : memref<!tpu.dma_semaphore, #tpu.memory_space<semaphore_mem>>)
      %dma_wait3A = arith.constant 0 : i32
      %dma_wait3A_80 = tpu.memref_slice %arg6[%arg0, %add3A_69, %dma_wait3A] : memref<2x10240x128xf32, #tpu.memory_space<hbm>> -> memref<1x128x128xf32, #tpu.memory_space<hbm>>
      %dma_wait3A_81 = tpu.memref_squeeze %dma_wait3A_80 : memref<1x128x128xf32, #tpu.memory_space<hbm>> -> memref<128x128xf32, #tpu.memory_space<hbm>>
      %dma_wait3A_82 = arith.constant 0 : i32
      %dma_wait3A_83 = tpu.memref_slice %arg6[%arg0, %add3A_69, %dma_wait3A_82] : memref<2x10240x128xf32, #tpu.memory_space<hbm>> -> memref<1x128x128xf32, #tpu.memory_space<hbm>>
      %dma_wait3A_84 = tpu.memref_squeeze %dma_wait3A_83 : memref<1x128x128xf32, #tpu.memory_space<hbm>> -> memref<128x128xf32, #tpu.memory_space<hbm>>
      tpu.wait_dma2 semaphore(%run_scoped3A : memref<!tpu.dma_semaphore, #tpu.memory_space<semaphore_mem>>) src(%arg9 : memref<128x128xf32, #tpu.memory_space<vmem>>) dst(%dma_wait3A_84 : memref<128x128xf32, #tpu.memory_space<hbm>>)
      tpu.yield
    }) : () -> ()
    %add3A_70 = arith.constant 512 : i32
    %add3A_71 = arith.addi %mul3A_2, %add3A_70 : i32
    "tpu.region"() ({
      %run_scoped3A = tpu.sem_alloc : memref<!tpu.dma_semaphore, #tpu.memory_space<semaphore_mem>>
      %dma_start3A_74 = arith.constant 0 : i32
      %dma_start3A_75 = tpu.memref_slice %arg11[%add3A_71, %dma_start3A_74] : memref<10240x128xf32, #tpu.memory_space<vmem_shared>> -> memref<128x128xf32, #tpu.memory_space<vmem_shared>>
      %dma_start3A_76 = arith.constant 0 : i32
      %dma_start3A_77 = tpu.memref_slice %arg11[%add3A_71, %dma_start3A_76] : memref<10240x128xf32, #tpu.memory_space<vmem_shared>> -> memref<128x128xf32, #tpu.memory_space<vmem_shared>>
      tpu.enqueue_dma source(%dma_start3A_77 : memref<128x128xf32, #tpu.memory_space<vmem_shared>>) target(%arg9 : memref<128x128xf32, #tpu.memory_space<vmem>>) target_semaphore(%run_scoped3A : memref<!tpu.dma_semaphore, #tpu.memory_space<semaphore_mem>>)
      %dma_wait3A = arith.constant 0 : i32
      %dma_wait3A_78 = tpu.memref_slice %arg11[%add3A_71, %dma_wait3A] : memref<10240x128xf32, #tpu.memory_space<vmem_shared>> -> memref<128x128xf32, #tpu.memory_space<vmem_shared>>
      %dma_wait3A_79 = arith.constant 0 : i32
      %dma_wait3A_80 = tpu.memref_slice %arg11[%add3A_71, %dma_wait3A_79] : memref<10240x128xf32, #tpu.memory_space<vmem_shared>> -> memref<128x128xf32, #tpu.memory_space<vmem_shared>>
      tpu.wait_dma2 semaphore(%run_scoped3A : memref<!tpu.dma_semaphore, #tpu.memory_space<semaphore_mem>>) src(%dma_wait3A_80 : memref<128x128xf32, #tpu.memory_space<vmem_shared>>) dst(%arg9 : memref<128x128xf32, #tpu.memory_space<vmem>>)
      tpu.yield
    }) : () -> ()
    %add3A_72 = arith.constant 512 : i32
    %add3A_73 = arith.addi %mul3A_2, %add3A_72 : i32
    "tpu.region"() ({
      %run_scoped3A = tpu.sem_alloc : memref<!tpu.dma_semaphore, #tpu.memory_space<semaphore_mem>>
      %dma_start3A_74 = arith.constant 0 : i32
      %dma_start3A_75 = tpu.memref_slice %arg6[%arg0, %add3A_73, %dma_start3A_74] : memref<2x10240x128xf32, #tpu.memory_space<hbm>> -> memref<1x128x128xf32, #tpu.memory_space<hbm>>
      %dma_start3A_76 = tpu.memref_squeeze %dma_start3A_75 : memref<1x128x128xf32, #tpu.memory_space<hbm>> -> memref<128x128xf32, #tpu.memory_space<hbm>>
      %dma_start3A_77 = arith.constant 0 : i32
      %dma_start3A_78 = tpu.memref_slice %arg6[%arg0, %add3A_73, %dma_start3A_77] : memref<2x10240x128xf32, #tpu.memory_space<hbm>> -> memref<1x128x128xf32, #tpu.memory_space<hbm>>
      %dma_start3A_79 = tpu.memref_squeeze %dma_start3A_78 : memref<1x128x128xf32, #tpu.memory_space<hbm>> -> memref<128x128xf32, #tpu.memory_space<hbm>>
      tpu.enqueue_dma source(%arg9 : memref<128x128xf32, #tpu.memory_space<vmem>>) target(%dma_start3A_79 : memref<128x128xf32, #tpu.memory_space<hbm>>) target_semaphore(%run_scoped3A : memref<!tpu.dma_semaphore, #tpu.memory_space<semaphore_mem>>)
      %dma_wait3A = arith.constant 0 : i32
      %dma_wait3A_80 = tpu.memref_slice %arg6[%arg0, %add3A_73, %dma_wait3A] : memref<2x10240x128xf32, #tpu.memory_space<hbm>> -> memref<1x128x128xf32, #tpu.memory_space<hbm>>
      %dma_wait3A_81 = tpu.memref_squeeze %dma_wait3A_80 : memref<1x128x128xf32, #tpu.memory_space<hbm>> -> memref<128x128xf32, #tpu.memory_space<hbm>>
      %dma_wait3A_82 = arith.constant 0 : i32
      %dma_wait3A_83 = tpu.memref_slice %arg6[%arg0, %add3A_73, %dma_wait3A_82] : memref<2x10240x128xf32, #tpu.memory_space<hbm>> -> memref<1x128x128xf32, #tpu.memory_space<hbm>>
      %dma_wait3A_84 = tpu.memref_squeeze %dma_wait3A_83 : memref<1x128x128xf32, #tpu.memory_space<hbm>> -> memref<128x128xf32, #tpu.memory_space<hbm>>
      tpu.wait_dma2 semaphore(%run_scoped3A : memref<!tpu.dma_semaphore, #tpu.memory_space<semaphore_mem>>) src(%arg9 : memref<128x128xf32, #tpu.memory_space<vmem>>) dst(%dma_wait3A_84 : memref<128x128xf32, #tpu.memory_space<hbm>>)
      tpu.yield
    }) : () -> ()
    return
  }
}

module attributes {stable_mosaic.version = 14 : i64} {
  func.func @body(%arg0: i32, %arg1: memref<512x128xf32, #tpu.memory_space<vmem>>, %arg2: memref<128x128xf32, #tpu.memory_space<vmem>>, %arg3: memref<2x512x128xf32, #tpu.memory_space<vmem>>, %arg4: memref<512x128xf32, #tpu.memory_space<vmem>>) attributes {dimension_semantics = [#tpu.dimension_semantics<arbitrary>], iteration_bounds = array<i64: 20>, scalar_prefetch = 0 : i64, scratch_operands = 0 : i64, tpu.core_type = #tpu.core_type<tc>, window_params = [{transform_indices = @transform_0, window_bounds = array<i64: 512, 128>}, {pipeline_mode = #tpu.pipeline_mode<synchronous>, transform_indices = @transform_1, window_bounds = array<i64: 128, 128>}, {transform_indices = @transform_2, window_bounds = array<i64: 2, 512, 128>}, {transform_indices = @transform_3, window_bounds = array<i64: 512, 128>}]} {
    %get3A = arith.constant 0 : index
    %get3A_0 = arith.constant 0 : index
    %get3A_1 = arith.constant 0 : index
    %get3A_2 = vector.load %arg3[%get3A, %get3A_0, %get3A_1] : memref<2x512x128xf32, #tpu.memory_space<vmem>>, vector<1x512x1xf32>
    %get3A_3 = vector.shape_cast %get3A_2 : vector<1x512x1xf32> to vector<512x1xf32>
    %get3A_4 = arith.constant 1 : index
    %get3A_5 = arith.constant 0 : index
    %get3A_6 = arith.constant 0 : index
    %get3A_7 = vector.load %arg3[%get3A_4, %get3A_5, %get3A_6] : memref<2x512x128xf32, #tpu.memory_space<vmem>>, vector<1x512x1xf32>
    %get3A_8 = vector.shape_cast %get3A_7 : vector<1x512x1xf32> to vector<512x1xf32>
    %add3A = arith.addf %get3A_3, %get3A_8 : vector<512x1xf32>
    %add3A_9 = arith.constant 1.000000e+00 : f32
    %add3A_10 = vector.broadcast %add3A_9 : f32 to vector<512x1xf32>
    %add3A_11 = arith.addf %add3A, %add3A_10 : vector<512x1xf32>
    %rsqrt3A = math.rsqrt %add3A_11 : vector<512x1xf32>
    %get3A_12 = arith.constant 0 : index
    %get3A_13 = arith.constant 0 : index
    %get3A_14 = vector.load %arg1[%get3A_12, %get3A_13] : memref<512x128xf32, #tpu.memory_space<vmem>>, vector<512x128xf32>
    %get3A_15 = arith.constant 0 : index
    %get3A_16 = arith.constant 0 : index
    %get3A_17 = vector.load %arg2[%get3A_15, %get3A_16] : memref<128x128xf32, #tpu.memory_space<vmem>>, vector<128x128xf32>
    %dot_general3A = arith.constant dense<0.000000e+00> : vector<512x128xf32>
    %dot_general3A_18 = tpu.matmul %get3A_14, %get3A_17, %dot_general3A {dimension_numbers = #tpu.dot_dimension_numbers<[1], [0], [0], [1], [0, 0, 1, 1], [], []>, transpose_lhs_hint = false} : vector<512x128xf32>, vector<128x128xf32>, vector<512x128xf32> -> vector<512x128xf32>
    %mul3A = vector.broadcast %rsqrt3A : vector<512x1xf32> to vector<512x128xf32>
    %mul3A_19 = arith.mulf %dot_general3A_18, %mul3A : vector<512x128xf32>
    %swap3A = arith.constant 0 : index
    %swap3A_20 = arith.constant 0 : index
    %swap3A_21 = vector.load %arg4[%swap3A, %swap3A_20] : memref<512x128xf32, #tpu.memory_space<vmem>>, vector<512x128xf32>
    tpu.vector_store %arg4[%swap3A, %swap3A_20], %mul3A_19 {strides = array<i32>} : memref<512x128xf32, #tpu.memory_space<vmem>>, vector<512x128xf32>,
    return
  }
  func.func @transform_0(%arg0: i32) -> (i32, i32) {
    %c0_i32 = arith.constant 0 : i32
    %c0_i32_0 = arith.constant 0 : i32
    return %arg0, %c0_i32 : i32, i32
  }
  func.func @transform_1(%arg0: i32) -> (i32, i32) {
    %c0_i32 = arith.constant 0 : i32
    %c0_i32_0 = arith.constant 0 : i32
    %c0_i32_1 = arith.constant 0 : i32
    return %c0_i32, %c0_i32_0 : i32, i32
  }
  func.func @transform_2(%arg0: i32) -> (i32, i32, i32) {
    %c0_i32 = arith.constant 0 : i32
    %c0_i32_0 = arith.constant 0 : i32
    %c0_i32_1 = arith.constant 0 : i32
    return %c0_i32, %arg0, %c0_i32_0 : i32, i32, i32
  }
  func.func @transform_3(%arg0: i32) -> (i32, i32) {
    %c0_i32 = arith.constant 0 : i32
    %c0_i32_0 = arith.constant 0 : i32
    return %arg0, %c0_i32 : i32, i32
  }
}

module attributes {stable_mosaic.version = 14 : i64} {
  func.func @body(%arg0: i32, %arg1: memref<2x512x128xf32, #tpu.memory_space<vmem>>, %arg2: memref<512x128xf32, #tpu.memory_space<vmem>>, %arg3: memref<2x512x128xf32, #tpu.memory_space<vmem>>, %arg4: memref<1x128xf32, #tpu.memory_space<vmem>>, %arg5: memref<512x128xf32, #tpu.memory_space<vmem>>) attributes {dimension_semantics = [#tpu.dimension_semantics<arbitrary>], iteration_bounds = array<i64: 20>, scalar_prefetch = 0 : i64, scratch_operands = 0 : i64, tpu.core_type = #tpu.core_type<tc>, window_params = [{transform_indices = @transform_0, window_bounds = array<i64: 2, 512, 128>}, {transform_indices = @transform_1, window_bounds = array<i64: 512, 128>}, {transform_indices = @transform_2, window_bounds = array<i64: 2, 512, 128>}, {pipeline_mode = #tpu.pipeline_mode<synchronous>, transform_indices = @transform_3, window_bounds = array<i64: 1, 128>}, {transform_indices = @transform_4, window_bounds = array<i64: 512, 128>}]} {
    %get3A = arith.constant 0 : index
    %get3A_0 = arith.constant 0 : index
    %get3A_1 = arith.constant 0 : index
    %get3A_2 = vector.load %arg3[%get3A, %get3A_0, %get3A_1] : memref<2x512x128xf32, #tpu.memory_space<vmem>>, vector<1x512x1xf32>
    %get3A_3 = vector.shape_cast %get3A_2 : vector<1x512x1xf32> to vector<512x1xf32>
    %get3A_4 = arith.constant 1 : index
    %get3A_5 = arith.constant 0 : index
    %get3A_6 = arith.constant 0 : index
    %get3A_7 = vector.load %arg3[%get3A_4, %get3A_5, %get3A_6] : memref<2x512x128xf32, #tpu.memory_space<vmem>>, vector<1x512x1xf32>
    %get3A_8 = vector.shape_cast %get3A_7 : vector<1x512x1xf32> to vector<512x1xf32>
    %add3A = arith.addf %get3A_3, %get3A_8 : vector<512x1xf32>
    %add3A_9 = arith.constant 1.000000e+00 : f32
    %add3A_10 = vector.broadcast %add3A_9 : f32 to vector<512x1xf32>
    %add3A_11 = arith.addf %add3A, %add3A_10 : vector<512x1xf32>
    %rsqrt3A = math.rsqrt %add3A_11 : vector<512x1xf32>
    %get3A_12 = arith.constant 0 : index
    %get3A_13 = arith.constant 0 : index
    %get3A_14 = arith.constant 0 : index
    %get3A_15 = vector.load %arg1[%get3A_12, %get3A_13, %get3A_14] : memref<2x512x128xf32, #tpu.memory_space<vmem>>, vector<1x512x128xf32>
    %get3A_16 = vector.shape_cast %get3A_15 : vector<1x512x128xf32> to vector<512x128xf32>
    %get3A_17 = arith.constant 1 : index
    %get3A_18 = arith.constant 0 : index
    %get3A_19 = arith.constant 0 : index
    %get3A_20 = vector.load %arg1[%get3A_17, %get3A_18, %get3A_19] : memref<2x512x128xf32, #tpu.memory_space<vmem>>, vector<1x512x128xf32>
    %get3A_21 = vector.shape_cast %get3A_20 : vector<1x512x128xf32> to vector<512x128xf32>
    %add3A_22 = arith.addf %get3A_16, %get3A_21 : vector<512x128xf32>
    %get3A_23 = arith.constant 0 : index
    %get3A_24 = arith.constant 0 : index
    %get3A_25 = vector.load %arg2[%get3A_23, %get3A_24] : memref<512x128xf32, #tpu.memory_space<vmem>>, vector<512x128xf32>
    %add3A_26 = arith.addf %add3A_22, %get3A_25 : vector<512x128xf32>
    %mul3A = vector.broadcast %rsqrt3A : vector<512x1xf32> to vector<512x128xf32>
    %mul3A_27 = arith.mulf %add3A_26, %mul3A : vector<512x128xf32>
    %get3A_28 = arith.constant 0 : index
    %get3A_29 = arith.constant 0 : index
    %get3A_30 = vector.load %arg4[%get3A_28, %get3A_29] : memref<1x128xf32, #tpu.memory_space<vmem>>, vector<1x128xf32>
    %add3A_31 = vector.broadcast %get3A_30 : vector<1x128xf32> to vector<512x128xf32>
    %add3A_32 = arith.addf %mul3A_27, %add3A_31 : vector<512x128xf32>
    %max3A = arith.constant 0.000000e+00 : f32
    %max3A_33 = vector.broadcast %max3A : f32 to vector<512x128xf32>
    %max3A_34 = arith.maximumf %add3A_32, %max3A_33 : vector<512x128xf32>
    %swap3A = arith.constant 0 : index
    %swap3A_35 = arith.constant 0 : index
    %swap3A_36 = vector.load %arg5[%swap3A, %swap3A_35] : memref<512x128xf32, #tpu.memory_space<vmem>>, vector<512x128xf32>
    tpu.vector_store %arg5[%swap3A, %swap3A_35], %max3A_34 {strides = array<i32>} : memref<512x128xf32, #tpu.memory_space<vmem>>, vector<512x128xf32>,
    return
  }
  func.func @transform_0(%arg0: i32) -> (i32, i32, i32) {
    %c0_i32 = arith.constant 0 : i32
    %c0_i32_0 = arith.constant 0 : i32
    %c0_i32_1 = arith.constant 0 : i32
    return %c0_i32, %arg0, %c0_i32_0 : i32, i32, i32
  }
  func.func @transform_1(%arg0: i32) -> (i32, i32) {
    %c0_i32 = arith.constant 0 : i32
    %c0_i32_0 = arith.constant 0 : i32
    return %arg0, %c0_i32 : i32, i32
  }
  func.func @transform_2(%arg0: i32) -> (i32, i32, i32) {
    %c0_i32 = arith.constant 0 : i32
    %c0_i32_0 = arith.constant 0 : i32
    %c0_i32_1 = arith.constant 0 : i32
    return %c0_i32, %arg0, %c0_i32_0 : i32, i32, i32
  }
  func.func @transform_3(%arg0: i32) -> (i32, i32) {
    %c0_i32 = arith.constant 0 : i32
    %c0_i32_0 = arith.constant 0 : i32
    %c0_i32_1 = arith.constant 0 : i32
    return %c0_i32, %c0_i32_0 : i32, i32
  }
  func.func @transform_4(%arg0: i32) -> (i32, i32) {
    %c0_i32 = arith.constant 0 : i32
    %c0_i32_0 = arith.constant 0 : i32
    return %arg0, %c0_i32 : i32, i32
  }
}

</mosaic_0001>

<sc_bundles>
// kernel: kernel.6.cloned.1.call-start
scs
__scs_entry_jumppad:
0x0: {  	(pc) =	sbr.rel $0x88, $3  }
0x1: {  	(tag) =	ssettag $0x0;
	lr =	simm.s32 $0x1  }
0x2: {  	[smem:$0x3F9D] =	sst lr;
	_ =	strace $0xD0000000  }
0x3: {  	_ = 	snop  }
0x4: {  	_ = 	snop  }
0x5: {  	_ = 	snop  }
0x6: {  	_ = 	snop  }
0x7: {  	_ = 	snop  }
__scs_overlays_trampoline_lowered:
0x8: {  	[smem:$0x3FAC] =	sst s0  }
0x9: {  	[smem:$0x3FAD] =	sst s1  }
0xa: {  	[smem:$0x3FAE] =	sst s2  }
0xb: {  	[smem:$0x3FAF] =	sst s3  }
0xc: {  	[smem:$0x3FB0] =	sst s4  }
0xd: {  	[smem:$0x3FB1] =	sst s5  }
0xe: {  	[smem:$0x3FB2] =	sst s6  }
0xf: {  	[smem:$0x3FB3] =	sst s7  }
0x10: {  	[smem:$0x3FB4] =	sst s8  }
0x11: {  	[smem:$0x3FB5] =	sst s9;
	s0 =	simm.s32 @!p0 $0x0  }
0x12: {  	s1 =	sld [smem:$0x3F9B];
	s0 =	simm.s32 @p0 $0x1  }
0x13: {  	[smem:$0x3FB6] =	sst s0;
	s0 =	simm.s32 @!p1 $0x0  }
0x14: {  	s2 =	sld [smem:$0x3F9A];
	s0 =	simm.s32 @p1 $0x1  }
0x15: {  	[smem:$0x3FB7] =	sst s0;
	s0 =	simm.s32 @!p2 $0x0  }
0x16: {  	s3 =	sld [smem:$0x3FDB];
	s0 =	simm.s32 @p2 $0x1  }
0x17: {  	s4 =	simm.s32 $0x1BF5;
	[smem:$0x3FB9] =	sst s0  }
0x18: {  	s0 =	sld [smem:$0x3F9C];
	_ =	swait.ge [sflag:s4], $0x0  }
0x19: {  	s7 =	sld [smem:$0x3F9D]  }
0x1a: {  	s8 =	sadd.s32 $0xFFFFE003, lr  }
0x1b: {  	s9 =	sadd.s32 $0xFFFFFEF7, lr;
	s5 =	simm.s32 $0xFFFFFFFF;
	p2 =	slt.u32 s8, $0xFFFFF086  }
0x1c: {  	p1 =	slt.u32 s9, $0xF7A;
	s5 =	simm.s32 @!p2 $0x0  }
0x1d: {  	s5 =	simm.s32 @p1 $0x1;
	p0 =	seq.s32 s7, s2  }
0x1e: {  	s7 =	smul.u32 @!p0 $0xF7A, s2;
	p2 =	seq.s32 @!p0 s5, $0x0  }
0x1f: {  	s9 =	smul.u32 $0xF7A, s1;
	s8 =	simm.s32 @!p0 $0x1BF5;
	p2 =	por !p2, p0  }
0x20: {  	[sflag:s8] =	ssyncset.s32 @!p0 $0xFFFFF086;
	s6 =	sadd.s32 @!p0 s3, s7;
	s7 =	simm.s32 @!p0 $0x108  }
0x21: {  	s3 =	sadd.s32 s3, s9;
	s6 =	sadd.s32 @!p0 $0x88, s6;
	s7 =	simm.s32 @p2 $0x1082  }
0x22: {  	[simem:s7], [sflag:s8] =	dma.local @!p0 [hbm:s6], $0xF7A  }
0x23: {  	s9 =	sor.u32 $0xD0000000, s2;
	s6 =	simm.s32 $0x108;
	_ =	swait.ge @!p0 [sflag:s8], $0x0  }
0x24: {  	s3 =	sadd.s32 $0x88, s3;
	s6 =	simm.s32 @!p1 $0x1082;
	[sflag:s4] =	ssyncset.s32 $0xFFFFF086  }
0x25: {  	[simem:s6], [sflag:s4] =	dma.local [hbm:s3], $0xF7A  }
0x26: {  	[smem:$0x3F9D] =	sst s1;
	(tag) =	ssettag s2;
	_ =	strace s9  }
0x27: {  	s1 =	sld [smem:$0x3FAD]  }
0x28: {  	s2 =	sld [smem:$0x3FAE]  }
0x29: {  	s4 =	sld [smem:$0x3FB0]  }
0x2a: {  	p0 =	seq.s32 s5, $0x0;
	s5 =	sld [smem:$0x3FB1]  }
0x2b: {  	s6 =	sld [smem:$0x3FB2]  }
0x2c: {  	s7 =	sld [smem:$0x3FB3]  }
0x2d: {  	s3 =	simm.s32 $0x108;
	s8 =	sld [smem:$0x3FB4]  }
0x2e: {  	s3 =	simm.s32 @!p0 $0x1082;
	s9 =	sld [smem:$0x3FB5]  }
0x2f: {  	lr =	sadd.s32 s0, s3;
	s0 =	sld [smem:$0x3FAC]  }
0x30: {  	s3 =	sld [smem:$0x3FAF]  }
0x31: {  	[smem:$0x3FB8] =	sst s10  }
0x32: {  	s10 =	sld [smem:$0x3FB6];
	_ =	sdelay $0x3  }
0x33: {  	p0 =	seq.s32 s10, $0x1;
	s10 =	sld [smem:$0x3FB8];
	_ =	sdelay $0x3  }
0x34: {  	[smem:$0x3FB8] =	sst s10  }
0x35: {  	s10 =	sld [smem:$0x3FB7];
	_ =	sdelay $0x3  }
0x36: {  	p1 =	seq.s32 s10, $0x1;
	s10 =	sld [smem:$0x3FB8];
	_ =	sdelay $0x3  }
0x37: {  	[smem:$0x3FB8] =	sst s10  }
0x38: {  	s10 =	sld [smem:$0x3FB9]  }
0x39: {  	_ = 	snop;
	(pc) =	sbr.ind lr, $3  }
0x3a: {  	_ = 	snop  }
0x3b: {  	_ = 	snop  }
0x3c: {  	p2 =	seq.s32 s10, $0x1;
	s10 =	sld [smem:$0x3FB8]  }
0x3d: {  	_ =	shalt  }
0x3e: {  	_ =	shalt  }
0x3f: {  	_ =	shalt  }
0x40: {  	_ =	shalt  }
0x41: {  	_ =	shalt  }
0x42: {  	_ =	shalt  }
0x43: {  	_ =	shalt  }
0x44: {  	_ =	shalt  }
0x45: {  	_ =	shalt  }
0x46: {  	_ =	shalt  }
0x47: {  	_ =	shalt  }
0x48: {  	_ =	shalt  }
0x49: {  	_ =	shalt  }
0x4a: {  	_ =	shalt  }
0x4b: {  	_ =	shalt  }
0x4c: {  	_ =	shalt  }
0x4d: {  	_ =	shalt  }
0x4e: {  	_ =	shalt  }
0x4f: {  	_ =	shalt  }
0x50: {  	_ =	shalt  }
0x51: {  	_ =	shalt  }
0x52: {  	_ =	shalt  }
0x53: {  	_ =	shalt  }
0x54: {  	_ =	shalt  }
0x55: {  	_ =	shalt  }
0x56: {  	_ =	shalt  }
0x57: {  	_ =	shalt  }
0x58: {  	_ =	shalt  }
0x59: {  	_ =	shalt  }
0x5a: {  	_ =	shalt  }
0x5b: {  	_ =	shalt  }
0x5c: {  	_ =	shalt  }
0x5d: {  	_ =	shalt  }
0x5e: {  	_ =	shalt  }
0x5f: {  	_ =	shalt  }
0x60: {  	_ =	shalt  }
0x61: {  	_ =	shalt  }
0x62: {  	_ =	shalt  }
0x63: {  	_ =	shalt  }
0x64: {  	_ =	shalt  }
0x65: {  	_ =	shalt  }
0x66: {  	_ =	shalt  }
0x67: {  	_ =	shalt  }
0x68: {  	_ =	shalt  }
0x69: {  	_ =	shalt  }
0x6a: {  	_ =	shalt  }
0x6b: {  	_ =	shalt  }
0x6c: {  	_ =	shalt  }
0x6d: {  	_ =	shalt  }
0x6e: {  	_ =	shalt  }
0x6f: {  	_ =	shalt  }
0x70: {  	_ =	shalt  }
0x71: {  	_ =	shalt  }
0x72: {  	_ =	shalt  }
0x73: {  	_ =	shalt  }
0x74: {  	_ =	shalt  }
0x75: {  	_ =	shalt  }
0x76: {  	_ =	shalt  }
0x77: {  	_ =	shalt  }
0x78: {  	_ =	shalt  }
0x79: {  	_ =	shalt  }
0x7a: {  	_ =	shalt  }
0x7b: {  	_ =	shalt  }
0x7c: {  	_ =	shalt  }
0x7d: {  	_ =	shalt  }
0x7e: {  	_ =	shalt  }
0x7f: {  	_ =	shalt  }
0x80: {  	_ =	shalt  }
0x81: {  	_ =	shalt  }
0x82: {  	_ =	shalt  }
0x83: {  	_ =	shalt  }
0x84: {  	_ =	shalt  }
0x85: {  	_ =	shalt  }
0x86: {  	_ =	shalt  }
0x87: {  	_ =	shalt  }
.Lfunc_end0:
.L_simem_size_0:
called_computation_lowered:
.L_overlay_start_0:
0x88: {  	s2 =	sld [smem:$0x3FD9]  }
0x89: {  	s3 =	sld [smem:$0x3FFE];
	_ =	sdelay $0x1  }
0x8a: {  	s1 =	srdreg.scid  }
0x8b: {  	s0 =	sand.u32 $0x1, s1  }
0x8c: {  	s16 =	sshll.u32 s0, $0xA;
	s2 =	sadd.s32 s3, s2  }
0x8d: {  	s2 =	sadd.s32 s2, s16  }
0x8e: {  	[smem:$0x3FC4] =	sst s2  }
0x8f: {  	_ = 	snop  }
0x90: {  	(tm) =	ssettm $0x1  }
0x91: {  	s17 =	sld [smem:$0x3FFB];
	_ =	sdelay $0x3  }
0x92: {  	_ =	strace s17  }
0x93: {  	s2 =	sld [smem:$0x3FFC];
	_ =	sdelay $0x3  }
0x94: {  	_ =	strace s2  }
0x95: {  	s2 =	sld [smem:$0x3FFD];
	_ =	sdelay $0x3  }
0x96: {  	_ =	strace s2  }
0x97: {  	_ =	strace $0x8FFFFFFF  }
0x98: {  	s18 =	sld [smem:$0x3FDB];
	_ =	sdelay $0x1  }
0x99: {  	s19 =	simm.s32 $_scs_section_size  }
0x9a: {  	s4 =	simm.s32 $_size__tile_overlayer_lowered;
	s5 =	simm.s32 $_tile_overlayer_lowered  }
0x9b: {  	s22 =	simm.s32 $0x1BFF;
	s21 =	sshll.u32 s5, $0x1;
	s2 =	sadd.s32 s19, s18  }
0x9c: {  	s6 =	simm.s32 $0x0;
	s20 =	sshll.u32 s4, $0x1;
	s4 =	sadd.s32 s21, s2  }
0x9d: {  	[timem:s6], [sflag:s22] =	dma.local [hbm:s4], s20  }
0x9e: {  	_ =	swait.ge [sflag:s22], s20  }
0x9f: {  	s3 =	ssub.s32 $0x0, s20;
	[sflag:s22] =	ssyncset.done $0x0  }
0xa0: {  	[sflag:s22] =	ssyncadd.s32 s3;
	_ =	sdelay $0x1  }
0xa1: {  	s23 =	simm.s32 $0x1B8B  }
0xa2: {  	_ =	swait.ge [sflag:s23], $0x1  }
0xa3: {  	[sflag:s23] =	ssyncset.done $0x0  }
0xa4: {  	s25 =	simm.s32 $0x1B8E;
	s24 =	sld [smem:$0x3FFE];
	[sflag:s23] =	ssyncadd.s32 $0xFFFFFFFF  }
0xa5: {  	s26 =	simm.s32 $execute0_lowered;
	[smem:$0x3FD2] =	sst s25  }
0xa6: {  	s4 =	sshll.u32 s26, $0x1;
	_ =	strace $0x80000046;
	[dreg:$0x1] =	wrdreg $0xFFFFFFFF  }
0xa7: {  	s28 =	simm.s32 $_size_execute0_lowered;
	s2 =	sadd.s32 s2, s4;
	[dreg:$0x0] =	wrdreg $0x0  }
0xa8: {  	s4 =	sshll.u32 s28, $0x1;
	[dreg:$0x2] =	wrdreg s2  }
0xa9: {  	[dreg:$0x3] =	wrdreg s4  }
0xaa: {  	[dreg:$0x4] =	wrdreg $0xC0  }
0xab: {  	_ =	task [dreg:s6], $0x5FFFF  }
0xac: {  	[dreg:$0x1] =	wrdreg $0xFFFFFFFF  }
0xad: {  	[dreg:$0x0] =	wrdreg $0x60  }
0xae: {  	[dreg:$0x2] =	wrdreg s24  }
0xaf: {  	[dreg:$0x3] =	wrdreg $0xA8000  }
0xb0: {  	[dreg:$0x4] =	wrdreg $0x9  }
0xb1: {  	_ =	task.clear_ibuf [dreg:s6], $0x5FFFF;
	_ =	strace $0x90000046  }
0xb2: {  	s29 =	simm.s32 $0x9;
	_ =	strace $0x80000048  }
0xb3: {  	_ =	swait.ge [sflag:s29], $0x1  }
0xb4: {  	[sflag:s29] =	ssyncadd.s32 $0xFFFFFFFF  }
0xb5: {  	_ =	strace $0x90000048  }
0xb6: {  	_ =	sfence  }
0xb7: {  	s30 =	sld [smem:$0x0];
	_ =	sdelay $0x2  }
0xb8: {  	s31 =	sshll.u32 s1, $0xD;
	s1 =	sshrl.u32 s1, $0x2  }
0xb9: {  	s3 =	sand.u32 $0x4000, s31;
	s1 =	sadd.s32 s1, s30  }
0xba: {  	s0 =	sor.u32 s3, s0;
	s1 =	sshll.u32 s1, $0x11  }
0xbb: {  	s0 =	sor.u32 s1, s0  }
0xbc: {  	s0 =	sadd.s32 $0x8F2B, s0  }
0xbd: {  	[sflag:s0] =	ssyncadd.remote.s32 $0x1  }
0xbe: {  	_ =	sfence.sel $0xFFFF  }
0xbf: {  	[dreg:$0x0] =	wrdreg $0xFFFFFFFF;
	(pc) =	sbr.abs _section_cstart, $3  }
0xc0: {  	[dreg:$0x1] =	wrdreg $0xFFFFFFFF  }
0xc1: {  	_ =	task.clear_ibuf [dreg:s6], $0x2FFFF;
	_ =	strace $0x9FFFFFFF  }
0xc2: {  	(tm) =	ssettm $0x7FFFFFFF  }
0xc3: {  	_ =	shalt  }
tec
execute0_lowered:
.L_overlay_start_1:
0x0: {  	(tag) =	ssettag $0x1  }
0x1: {  	s6 =	rddreg [dreg:$0x0]  }
0x2: {  	s0 =	srdreg.scid;
	s2 =	rddreg [dreg:$0x1]  }
0x3: {  	s1 =	stileid.u32;
	s3 =	simm.s32 $0x0;
	s21 =	simm.s32 $0x80  }
0x4: {  	s22 =	simm.s32 $0x0;
	s7 =	sand.u32 $0x1, s0;
	s0 =	rddreg [dreg:$0x2]  }
0x5: {  	[smem:$0x7FF] =	sst s3;
	s8 =	smul.u32 $0x50000, s1;
	s5 =	sadd.s32 $0xC400, s6  }
0x6: {  	s10 =	smul.u32 $0x14000, s1;
	s16 =	sadd.s32 $0xCC00, s6;
	s4 =	sshll.u32 s7, $0x4  }
0x7: {  	_ =	strace $0x80000047;
	s9 =	ssub.s32 $0x2, s7;
	s18 =	smul.u32 $0x140000, s7  }
0x8: {  	s4 =	sor.u32 s1, s4;
	s31 =	sshrl.u32 s9, $0x1;
	s8 =	sshrl.u32 s8, $0x2  }
0x9: {  	s12 =	sadd.s32 $0x4000, s10;
	s14 =	sadd.s32 $0x8000, s10;
	s15 =	sadd.s32 $0xC000, s10  }
0xa: {  	s19 =	sadd.s32 $0x10000, s10;
	s4 =	smul.u32 $0x500, s4;
	s17 =	ssub.s32 s9, s31  }
0xb: {  	s7 =	sadd.s32 s12, s2;
	s9 =	sadd.s32 s15, s2;
	s13 =	sadd.s32 s10, s18  }
0xc: {  	s12 =	sadd.s32 s18, s12;
	s10 =	sadd.s32 s19, s2;
	s15 =	sadd.s32 s18, s15  }
0xd: {  	s13 =	sshrl.u32 s13, $0x3;
	s20 =	sshrl.u32 s12, $0x3;
	s15 =	sshrl.u32 s15, $0x3  }
0xe: {  	s17 =	smax.u32 s17, $0x1;
	s11 =	sadd.s32 s4, s6;
	s4 =	sadd.s32 $0xBC00, s6  }
0xf: {  	s6 =	sadd.s32 s8, s2;
	s8 =	sadd.s32 s14, s2;
	s12 =	sadd.s32 s16, s13  }
0x10: {  	s13 =	sadd.s32 s16, s20;
	s14 =	sadd.s32 s18, s14;
	s18 =	sadd.s32 s18, s19  }
0x11: {  	s15 =	sadd.s32 s16, s15;
	s19 =	simm.s32 $0x1;
	s20 =	simm.s32 $0x2800  }
0x12: {  	s11 =	sadd.s32 $0x1C00, s11;
	s14 =	sshrl.u32 s14, $0x3;
	s18 =	sshrl.u32 s18, $0x3  }
0x13: {  	s14 =	sadd.s32 s16, s14;
	s16 =	sadd.s32 s16, s18;
	s18 =	simm.s32 $0x6800  }
.LBB2_1:
0x14: {  	[tilespmem:s18], [sflag:$0x1] =	stream.linear.gather [hbm4b:s4+s3], $0x4000, $0x38;
	[tilespmem:$0x1E800] =	vst v63  }
0x15: {  	_ =	swait.ge [sflag:s19], $0x4000  }
0x16: {  	[sflag:s19] =	ssyncset.done $0x0  }
0x17: {  	[sflag:s19] =	ssyncadd.s32 $0xFFFFC000  }
0x18: {  	[spmem:s6] =	stream.linear.scatter [tilespmem:s18], [sflag:$0x1], $0x4000, $0x38;
	[tilespmem:$0x1E800] =	vst v63  }
0x19: {  	_ =	swait.ge [sflag:s19], $0x4000  }
0x1a: {  	[sflag:s19] =	ssyncset.done $0x0  }
0x1b: {  	[sflag:s19] =	ssyncadd.s32 $0xFFFFC000  }
0x1c: {  	[spmem:s7] =	stream.linear.scatter [tilespmem:s18], [sflag:$0x1], $0x4000, $0x38;
	[tilespmem:$0x1E800] =	vst v63  }
0x1d: {  	_ =	swait.ge [sflag:s19], $0x4000  }
0x1e: {  	[sflag:s19] =	ssyncset.done $0x0  }
0x1f: {  	[sflag:s19] =	ssyncadd.s32 $0xFFFFC000  }
0x20: {  	[spmem:s8] =	stream.linear.scatter [tilespmem:s18], [sflag:$0x1], $0x4000, $0x38;
	[tilespmem:$0x1E800] =	vst v63  }
0x21: {  	_ =	swait.ge [sflag:s19], $0x4000  }
0x22: {  	[sflag:s19] =	ssyncset.done $0x0  }
0x23: {  	[sflag:s19] =	ssyncadd.s32 $0xFFFFC000  }
0x24: {  	[spmem:s9] =	stream.linear.scatter [tilespmem:s18], [sflag:$0x1], $0x4000, $0x38;
	[tilespmem:$0x1E800] =	vst v63  }
0x25: {  	_ =	swait.ge [sflag:s19], $0x4000  }
0x26: {  	[sflag:s19] =	ssyncset.done $0x0  }
0x27: {  	[sflag:s19] =	ssyncadd.s32 $0xFFFFC000  }
0x28: {  	[spmem:s10] =	stream.linear.scatter [tilespmem:s18], [sflag:$0x1], $0x4000, $0x38;
	[tilespmem:$0x1E800] =	vst v63  }
0x29: {  	_ =	swait.ge [sflag:s19], $0x4000  }
0x2a: {  	[sflag:s19] =	ssyncset.done $0x0  }
0x2b: {  	[sflag:s19] =	ssyncadd.s32 $0xFFFFC000  }
0x2c: {  	[tilespmem:s20], [sflag:$0x1] =	stream.linear.gather [hbm4b:s5+s3], $0x4000, $0x38;
	[tilespmem:$0x1E800] =	vst v63  }
0x2d: {  	_ =	swait.ge [sflag:s19], $0x4000  }
0x2e: {  	[sflag:s19] =	ssyncset.done $0x0  }
0x2f: {  	[sflag:s19] =	ssyncadd.s32 $0xFFFFC000  }
0x30: {  	[tilespmem:s3], [sflag:$0x1] =	stream.linear.gather [hbm4b:s11+s3], $0x2800, $0x38;
	[tilespmem:$0x1E800] =	vst v63  }
0x31: {  	_ =	swait.ge [sflag:s19], $0x2800  }
0x32: {  	[sflag:s19] =	ssyncset.done $0x0  }
0x33: {  	[sflag:s19] =	ssyncadd.s32 $0xFFFFD800  }
0x34: {  	s23 =	simm.s32 $0x0;
	[bflag:$0x0] =	sbarrier.arrive $0xFFFF  }
0x35: {  	[spmem:s2] =	stream.indirect.scatter.add.f32 [tilespmem:s20], [sflag:$0x1], $0x80, s23, s21, $0xb8;
	[tilespmem:$0x1E800] =	vst v63  }
0x36: {  	_ =	swait.ge [sflag:s19], $0x4000  }
0x37: {  	s23 =	simm.s32 $0x200;
	[sflag:s19] =	ssyncset.done $0x0  }
.LBB2_2:
0x38: {  	s24 =	sshra.s32 s23, $0x2;
	[sflag:s19] =	ssyncadd.s32 $0xFFFFC000;
	p0 =	sne.s32 s23, $0x9E00  }
0x39: {  	[spmem:s2] =	stream.indirect.scatter.add.f32 [tilespmem:s20], [sflag:$0x1], $0x80, s24, s21, $0xb8;
	[tilespmem:$0x1E800] =	vst v63  }
.Ltmp0:
0x3a: {  	_ = 	snop;
	(pc) =	sbr.rel @p0 .LBB2_2-.Ltmp0, $4  }
0x3b: {  	_ = 	snop  }
0x3c: {  	s23 =	sadd.s32 $0x200, s23  }
0x3d: {  	_ =	swait.ge [sflag:s19], $0x4000  }
0x3e: {  	[sflag:s19] =	ssyncset.done $0x0  }
0x3f: {  	[sflag:s19] =	ssyncadd.s32 $0xFFFFC000  }
0x40: {  	[bflag:$0x0] =	sbarrier.arrive $0xFFFF  }
0x41: {  	[tilespmem:s18], [sflag:$0x1] =	stream.linear.gather [spmem:s6], $0x4000, $0x38;
	[tilespmem:$0x1E800] =	vst v63  }
0x42: {  	_ =	swait.ge [sflag:s19], $0x4000  }
0x43: {  	[sflag:s19] =	ssyncset.done $0x0  }
0x44: {  	[sflag:s19] =	ssyncadd.s32 $0xFFFFC000  }
0x45: {  	[hbm4b:s12+s3] =	stream.linear.scatter [tilespmem:s18], [sflag:$0x1], $0x4000, $0x38;
	[tilespmem:$0x1E800] =	vst v63  }
0x46: {  	_ =	swait.ge [sflag:s19], $0x4000  }
0x47: {  	[sflag:s19] =	ssyncset.done $0x0  }
0x48: {  	[sflag:s19] =	ssyncadd.s32 $0xFFFFC000  }
0x49: {  	[tilespmem:s18], [sflag:$0x1] =	stream.linear.gather [spmem:s7], $0x4000, $0x38;
	[tilespmem:$0x1E800] =	vst v63  }
0x4a: {  	_ =	swait.ge [sflag:s19], $0x4000  }
0x4b: {  	[sflag:s19] =	ssyncset.done $0x0  }
0x4c: {  	[sflag:s19] =	ssyncadd.s32 $0xFFFFC000  }
0x4d: {  	[hbm4b:s13+s3] =	stream.linear.scatter [tilespmem:s18], [sflag:$0x1], $0x4000, $0x38;
	[tilespmem:$0x1E800] =	vst v63  }
0x4e: {  	_ =	swait.ge [sflag:s19], $0x4000  }
0x4f: {  	[sflag:s19] =	ssyncset.done $0x0  }
0x50: {  	[sflag:s19] =	ssyncadd.s32 $0xFFFFC000  }
0x51: {  	[tilespmem:s18], [sflag:$0x1] =	stream.linear.gather [spmem:s8], $0x4000, $0x38;
	[tilespmem:$0x1E800] =	vst v63  }
0x52: {  	_ =	swait.ge [sflag:s19], $0x4000  }
0x53: {  	[sflag:s19] =	ssyncset.done $0x0  }
0x54: {  	[sflag:s19] =	ssyncadd.s32 $0xFFFFC000  }
0x55: {  	[hbm4b:s14+s3] =	stream.linear.scatter [tilespmem:s18], [sflag:$0x1], $0x4000, $0x38;
	[tilespmem:$0x1E800] =	vst v63  }
0x56: {  	_ =	swait.ge [sflag:s19], $0x4000  }
0x57: {  	[sflag:s19] =	ssyncset.done $0x0  }
0x58: {  	[sflag:s19] =	ssyncadd.s32 $0xFFFFC000  }
0x59: {  	[tilespmem:s18], [sflag:$0x1] =	stream.linear.gather [spmem:s9], $0x4000, $0x38;
	[tilespmem:$0x1E800] =	vst v63  }
0x5a: {  	_ =	swait.ge [sflag:s19], $0x4000  }
0x5b: {  	[sflag:s19] =	ssyncset.done $0x0  }
0x5c: {  	[sflag:s19] =	ssyncadd.s32 $0xFFFFC000  }
0x5d: {  	[hbm4b:s15+s3] =	stream.linear.scatter [tilespmem:s18], [sflag:$0x1], $0x4000, $0x38;
	[tilespmem:$0x1E800] =	vst v63  }
0x5e: {  	_ =	swait.ge [sflag:s19], $0x4000  }
0x5f: {  	[sflag:s19] =	ssyncset.done $0x0  }
0x60: {  	[sflag:s19] =	ssyncadd.s32 $0xFFFFC000  }
0x61: {  	[tilespmem:s18], [sflag:$0x1] =	stream.linear.gather [spmem:s10], $0x4000, $0x38;
	[tilespmem:$0x1E800] =	vst v63  }
0x62: {  	s22 =	sadd.s32 $0x1, s22;
	_ =	swait.ge [sflag:s19], $0x4000  }
0x63: {  	p0 =	sne.s32 s22, s17;
	[sflag:s19] =	ssyncset.done $0x0  }
.Ltmp1:
0x64: {  	[sflag:s19] =	ssyncadd.s32 $0xFFFFC000;
	(pc) =	sbr.rel @p0 .LBB2_1-.Ltmp1, $4  }
0x65: {  	[hbm4b:s16+s3] =	stream.linear.scatter [tilespmem:s18], [sflag:$0x1], $0x4000, $0x38;
	[tilespmem:$0x1E800] =	vst v63  }
0x66: {  	_ =	swait.ge [sflag:s19], $0x4000  }
0x67: {  	[sflag:s19] =	ssyncset.done $0x0  }
0x68: {  	[sflag:s19] =	ssyncadd.s32 $0xFFFFC000  }
0x69: {  	_ =	sfence.sel $0x180000  }
0x6a: {  	[bflag:$0x0] =	sbarrier.arrive $0xFFFF  }
0x6b: {  	p0 =	sne.s32 s1, $0x0;
	_ =	strace $0x90000047  }
0x6c: {  	s0 =	sadd.s32 @!p0 $0x100000, s0;
	[bflag:$0x2] =	sbarrier.arrive $0xFFFF  }
0x6d: {  	[sflag:s0] =	ssyncadd.tile.s32 @!p0 $0x1;
	_ =	shalt  }
.Lfunc_end2:
_tile_overlayer_lowered:
.L_overlay_start_2:
0x6e: {  	(tag) =	ssettag $0x2  }
0x6f: {  	s0 =	rddreg [dreg:$0x0];
	s2 =	stileid.u32  }
0x70: {  	s1 =	rddreg [dreg:$0x1];
	p0 =	sne.s32 s2, $0x0  }
0x71: {  	s3 =	rddreg [dreg:$0x2];
	[bflag:$0x3] =	sbarrier.arrive $0xFFFF;
	s2 =	simm.s32 @!p0 $0x1C01  }
0x72: {  	[timem:s3], [sflag:s2] =	dma.local @!p0 [hbm:s0], s1  }
0x73: {  	s0 =	simm.s32 @!p0 $0x1  }
0x74: {  	_ =	swait.ge @!p0 [sflag:s0], s1  }
0x75: {  	s1 =	ssub.s32 @!p0 $0x0, s1;
	[sflag:s0] =	ssyncset.done @!p0 $0x0  }
0x76: {  	[sflag:s0] =	ssyncadd.s32 @!p0 s1  }
0x77: {  	[bflag:$0x3] =	sbarrier.arrive $0xFFFF  }
0x78: {  	_ =	shalt  }

// kernel: kernel.9.cloned.1.call-start
scs
__scs_entry_jumppad:
0x0: {  	(pc) =	sbr.rel $0x88, $3  }
0x1: {  	(tag) =	ssettag $0x0;
	lr =	simm.s32 $0x1  }
0x2: {  	[smem:$0x3F9D] =	sst lr;
	_ =	strace $0xD0000000  }
0x3: {  	_ = 	snop  }
0x4: {  	_ = 	snop  }
0x5: {  	_ = 	snop  }
0x6: {  	_ = 	snop  }
0x7: {  	_ = 	snop  }
__scs_overlays_trampoline_lowered:
0x8: {  	[smem:$0x3FAC] =	sst s0  }
0x9: {  	[smem:$0x3FAD] =	sst s1  }
0xa: {  	[smem:$0x3FAE] =	sst s2  }
0xb: {  	[smem:$0x3FAF] =	sst s3  }
0xc: {  	[smem:$0x3FB0] =	sst s4  }
0xd: {  	[smem:$0x3FB1] =	sst s5  }
0xe: {  	[smem:$0x3FB2] =	sst s6  }
0xf: {  	[smem:$0x3FB3] =	sst s7  }
0x10: {  	[smem:$0x3FB4] =	sst s8  }
0x11: {  	[smem:$0x3FB5] =	sst s9;
	s0 =	simm.s32 @!p0 $0x0  }
0x12: {  	s1 =	sld [smem:$0x3F9B];
	s0 =	simm.s32 @p0 $0x1  }
0x13: {  	[smem:$0x3FB6] =	sst s0;
	s0 =	simm.s32 @!p1 $0x0  }
0x14: {  	s2 =	sld [smem:$0x3F9A];
	s0 =	simm.s32 @p1 $0x1  }
0x15: {  	[smem:$0x3FB7] =	sst s0;
	s0 =	simm.s32 @!p2 $0x0  }
0x16: {  	s3 =	sld [smem:$0x3FDB];
	s0 =	simm.s32 @p2 $0x1  }
0x17: {  	s4 =	simm.s32 $0x1BF5;
	[smem:$0x3FB9] =	sst s0  }
0x18: {  	s0 =	sld [smem:$0x3F9C];
	_ =	swait.ge [sflag:s4], $0x0  }
0x19: {  	s7 =	sld [smem:$0x3F9D]  }
0x1a: {  	s8 =	sadd.s32 $0xFFFFE003, lr  }
0x1b: {  	s9 =	sadd.s32 $0xFFFFFEF7, lr;
	s5 =	simm.s32 $0xFFFFFFFF;
	p2 =	slt.u32 s8, $0xFFFFF086  }
0x1c: {  	p1 =	slt.u32 s9, $0xF7A;
	s5 =	simm.s32 @!p2 $0x0  }
0x1d: {  	s5 =	simm.s32 @p1 $0x1;
	p0 =	seq.s32 s7, s2  }
0x1e: {  	s7 =	smul.u32 @!p0 $0xF7A, s2;
	p2 =	seq.s32 @!p0 s5, $0x0  }
0x1f: {  	s9 =	smul.u32 $0xF7A, s1;
	s8 =	simm.s32 @!p0 $0x1BF5;
	p2 =	por !p2, p0  }
0x20: {  	[sflag:s8] =	ssyncset.s32 @!p0 $0xFFFFF086;
	s6 =	sadd.s32 @!p0 s3, s7;
	s7 =	simm.s32 @!p0 $0x108  }
0x21: {  	s3 =	sadd.s32 s3, s9;
	s6 =	sadd.s32 @!p0 $0x88, s6;
	s7 =	simm.s32 @p2 $0x1082  }
0x22: {  	[simem:s7], [sflag:s8] =	dma.local @!p0 [hbm:s6], $0xF7A  }
0x23: {  	s9 =	sor.u32 $0xD0000000, s2;
	s6 =	simm.s32 $0x108;
	_ =	swait.ge @!p0 [sflag:s8], $0x0  }
0x24: {  	s3 =	sadd.s32 $0x88, s3;
	s6 =	simm.s32 @!p1 $0x1082;
	[sflag:s4] =	ssyncset.s32 $0xFFFFF086  }
0x25: {  	[simem:s6], [sflag:s4] =	dma.local [hbm:s3], $0xF7A  }
0x26: {  	[smem:$0x3F9D] =	sst s1;
	(tag) =	ssettag s2;
	_ =	strace s9  }
0x27: {  	s1 =	sld [smem:$0x3FAD]  }
0x28: {  	s2 =	sld [smem:$0x3FAE]  }
0x29: {  	s4 =	sld [smem:$0x3FB0]  }
0x2a: {  	p0 =	seq.s32 s5, $0x0;
	s5 =	sld [smem:$0x3FB1]  }
0x2b: {  	s6 =	sld [smem:$0x3FB2]  }
0x2c: {  	s7 =	sld [smem:$0x3FB3]  }
0x2d: {  	s3 =	simm.s32 $0x108;
	s8 =	sld [smem:$0x3FB4]  }
0x2e: {  	s3 =	simm.s32 @!p0 $0x1082;
	s9 =	sld [smem:$0x3FB5]  }
0x2f: {  	lr =	sadd.s32 s0, s3;
	s0 =	sld [smem:$0x3FAC]  }
0x30: {  	s3 =	sld [smem:$0x3FAF]  }
0x31: {  	[smem:$0x3FB8] =	sst s10  }
0x32: {  	s10 =	sld [smem:$0x3FB6];
	_ =	sdelay $0x3  }
0x33: {  	p0 =	seq.s32 s10, $0x1;
	s10 =	sld [smem:$0x3FB8];
	_ =	sdelay $0x3  }
0x34: {  	[smem:$0x3FB8] =	sst s10  }
0x35: {  	s10 =	sld [smem:$0x3FB7];
	_ =	sdelay $0x3  }
0x36: {  	p1 =	seq.s32 s10, $0x1;
	s10 =	sld [smem:$0x3FB8];
	_ =	sdelay $0x3  }
0x37: {  	[smem:$0x3FB8] =	sst s10  }
0x38: {  	s10 =	sld [smem:$0x3FB9]  }
0x39: {  	_ = 	snop;
	(pc) =	sbr.ind lr, $3  }
0x3a: {  	_ = 	snop  }
0x3b: {  	_ = 	snop  }
0x3c: {  	p2 =	seq.s32 s10, $0x1;
	s10 =	sld [smem:$0x3FB8]  }
0x3d: {  	_ =	shalt  }
0x3e: {  	_ =	shalt  }
0x3f: {  	_ =	shalt  }
0x40: {  	_ =	shalt  }
0x41: {  	_ =	shalt  }
0x42: {  	_ =	shalt  }
0x43: {  	_ =	shalt  }
0x44: {  	_ =	shalt  }
0x45: {  	_ =	shalt  }
0x46: {  	_ =	shalt  }
0x47: {  	_ =	shalt  }
0x48: {  	_ =	shalt  }
0x49: {  	_ =	shalt  }
0x4a: {  	_ =	shalt  }
0x4b: {  	_ =	shalt  }
0x4c: {  	_ =	shalt  }
0x4d: {  	_ =	shalt  }
0x4e: {  	_ =	shalt  }
0x4f: {  	_ =	shalt  }
0x50: {  	_ =	shalt  }
0x51: {  	_ =	shalt  }
0x52: {  	_ =	shalt  }
0x53: {  	_ =	shalt  }
0x54: {  	_ =	shalt  }
0x55: {  	_ =	shalt  }
0x56: {  	_ =	shalt  }
0x57: {  	_ =	shalt  }
0x58: {  	_ =	shalt  }
0x59: {  	_ =	shalt  }
0x5a: {  	_ =	shalt  }
0x5b: {  	_ =	shalt  }
0x5c: {  	_ =	shalt  }
0x5d: {  	_ =	shalt  }
0x5e: {  	_ =	shalt  }
0x5f: {  	_ =	shalt  }
0x60: {  	_ =	shalt  }
0x61: {  	_ =	shalt  }
0x62: {  	_ =	shalt  }
0x63: {  	_ =	shalt  }
0x64: {  	_ =	shalt  }
0x65: {  	_ =	shalt  }
0x66: {  	_ =	shalt  }
0x67: {  	_ =	shalt  }
0x68: {  	_ =	shalt  }
0x69: {  	_ =	shalt  }
0x6a: {  	_ =	shalt  }
0x6b: {  	_ =	shalt  }
0x6c: {  	_ =	shalt  }
0x6d: {  	_ =	shalt  }
0x6e: {  	_ =	shalt  }
0x6f: {  	_ =	shalt  }
0x70: {  	_ =	shalt  }
0x71: {  	_ =	shalt  }
0x72: {  	_ =	shalt  }
0x73: {  	_ =	shalt  }
0x74: {  	_ =	shalt  }
0x75: {  	_ =	shalt  }
0x76: {  	_ =	shalt  }
0x77: {  	_ =	shalt  }
0x78: {  	_ =	shalt  }
0x79: {  	_ =	shalt  }
0x7a: {  	_ =	shalt  }
0x7b: {  	_ =	shalt  }
0x7c: {  	_ =	shalt  }
0x7d: {  	_ =	shalt  }
0x7e: {  	_ =	shalt  }
0x7f: {  	_ =	shalt  }
0x80: {  	_ =	shalt  }
0x81: {  	_ =	shalt  }
0x82: {  	_ =	shalt  }
0x83: {  	_ =	shalt  }
0x84: {  	_ =	shalt  }
0x85: {  	_ =	shalt  }
0x86: {  	_ =	shalt  }
0x87: {  	_ =	shalt  }
.Lfunc_end0:
.L_simem_size_0:
called_computation.1_lowered:
.L_overlay_start_0:
0x88: {  	s2 =	sld [smem:$0x3FD9]  }
0x89: {  	s3 =	sld [smem:$0x3FFE];
	_ =	sdelay $0x1  }
0x8a: {  	s1 =	srdreg.scid  }
0x8b: {  	s0 =	sand.u32 $0x1, s1  }
0x8c: {  	s17 =	sshll.u32 s0, $0xA;
	s2 =	sadd.s32 s3, s2  }
0x8d: {  	s2 =	sadd.s32 s2, s17  }
0x8e: {  	[smem:$0x3FC4] =	sst s2  }
0x8f: {  	_ = 	snop  }
0x90: {  	s2 =	sld [smem:$0x3FD0];
	(tm) =	ssettm $0x1  }
0x91: {  	s18 =	sld [smem:$0x3FFB];
	_ =	sdelay $0x3  }
0x92: {  	_ =	strace s18  }
0x93: {  	s3 =	sld [smem:$0x3FFC];
	_ =	sdelay $0x3  }
0x94: {  	_ =	strace s3  }
0x95: {  	s3 =	sld [smem:$0x3FFD];
	_ =	sdelay $0x3  }
0x96: {  	_ =	strace s3  }
0x97: {  	_ =	strace $0x8FFFFFFF  }
0x98: {  	s19 =	sld [smem:$0x3FDB];
	_ =	sdelay $0x1  }
0x99: {  	s4 =	simm.s32 $_scs_section_size  }
0x9a: {  	s5 =	simm.s32 $_size__tile_overlayer_lowered;
	s6 =	simm.s32 $_tile_overlayer_lowered  }
0x9b: {  	s22 =	simm.s32 $0x1BFF;
	s21 =	sshll.u32 s6, $0x1;
	s3 =	sadd.s32 s4, s19  }
0x9c: {  	s7 =	simm.s32 $0x0;
	s20 =	sshll.u32 s5, $0x1;
	s5 =	sadd.s32 s21, s3  }
0x9d: {  	[timem:s7], [sflag:s22] =	dma.local [hbm:s5], s20  }
0x9e: {  	_ =	swait.ge [sflag:s22], s20  }
0x9f: {  	s4 =	ssub.s32 $0x0, s20;
	[sflag:s22] =	ssyncset.done $0x0  }
0xa0: {  	[sflag:s22] =	ssyncadd.s32 s4;
	_ =	sdelay $0x1  }
0xa1: {  	s23 =	simm.s32 $0x1B8B  }
0xa2: {  	_ =	swait.ge [sflag:s23], $0x1  }
0xa3: {  	[sflag:s23] =	ssyncset.done $0x0  }
0xa4: {  	s25 =	simm.s32 $0x1B8E;
	s24 =	sld [smem:$0x3FFE];
	[sflag:s23] =	ssyncadd.s32 $0xFFFFFFFF  }
0xa5: {  	s26 =	simm.s32 $execute0_lowered;
	[smem:$0x3FD2] =	sst s25  }
0xa6: {  	s5 =	sshll.u32 s26, $0x1;
	_ =	strace $0x80000049;
	[dreg:$0x1] =	wrdreg $0xFFFFFFFF  }
0xa7: {  	s28 =	simm.s32 $_size_execute0_lowered;
	s3 =	sadd.s32 s3, s5;
	[dreg:$0x0] =	wrdreg $0x0  }
0xa8: {  	s5 =	sshll.u32 s28, $0x1;
	[dreg:$0x2] =	wrdreg s3  }
0xa9: {  	[dreg:$0x3] =	wrdreg s5  }
0xaa: {  	[dreg:$0x4] =	wrdreg $0xC0  }
0xab: {  	_ =	task [dreg:s7], $0x5FFFF  }
0xac: {  	[dreg:$0x1] =	wrdreg $0xFFFFFFFF  }
0xad: {  	[dreg:$0x0] =	wrdreg $0x60  }
0xae: {  	[dreg:$0x2] =	wrdreg s24  }
0xaf: {  	[dreg:$0x3] =	wrdreg s2  }
0xb0: {  	[dreg:$0x4] =	wrdreg $0xA8000  }
0xb1: {  	[dreg:$0x5] =	wrdreg $0x9  }
0xb2: {  	_ =	task.clear_ibuf [dreg:s7], $0x6FFFF;
	_ =	strace $0x90000049  }
0xb3: {  	s29 =	simm.s32 $0x9;
	_ =	strace $0x8000004B  }
0xb4: {  	_ =	swait.ge [sflag:s29], $0x1  }
0xb5: {  	[sflag:s29] =	ssyncadd.s32 $0xFFFFFFFF  }
0xb6: {  	_ =	strace $0x9000004B  }
0xb7: {  	_ =	sfence  }
0xb8: {  	s30 =	sld [smem:$0x0];
	_ =	sdelay $0x2  }
0xb9: {  	s31 =	sshll.u32 s1, $0xD;
	s1 =	sshrl.u32 s1, $0x2  }
0xba: {  	s3 =	sand.u32 $0x4000, s31;
	s1 =	sadd.s32 s1, s30  }
0xbb: {  	s0 =	sor.u32 s3, s0;
	s1 =	sshll.u32 s1, $0x11  }
0xbc: {  	s0 =	sor.u32 s1, s0  }
0xbd: {  	s0 =	sadd.s32 $0x8F2B, s0  }
0xbe: {  	[sflag:s0] =	ssyncadd.remote.s32 $0x1  }
0xbf: {  	_ =	sfence.sel $0xFFFF  }
0xc0: {  	[dreg:$0x0] =	wrdreg $0xFFFFFFFF;
	(pc) =	sbr.abs _section_cstart, $3  }
0xc1: {  	[dreg:$0x1] =	wrdreg $0xFFFFFFFF  }
0xc2: {  	_ =	task.clear_ibuf [dreg:s7], $0x2FFFF;
	_ =	strace $0x9FFFFFFF  }
0xc3: {  	(tm) =	ssettm $0x7FFFFFFF  }
tec
execute0_lowered:
.L_overlay_start_1:
0x0: {  	(tag) =	ssettag $0x1  }
0x1: {  	s0 =	rddreg [dreg:$0x0]  }
0x2: {  	s3 =	rddreg [dreg:$0x1]  }
0x3: {  	s1 =	rddreg [dreg:$0x2];
	s2 =	simm.s32 $0x0  }
0x4: {  	s6 =	srdreg.scid;
	s10 =	stileid.u32;
	s28 =	simm.s32 $0x2  }
0x5: {  	s29 =	simm.s32 $0x1380;
	s30 =	simm.s32 $0x2700;
	s31 =	simm.s32 $0x2780  }
0x6: {  	[smem:$0x7FF] =	sst s2;
	s4 =	sadd.s32 $0x5CC00, s0;
	s5 =	sadd.s32 $0x1C00, s0  }
0x7: {  	s7 =	sadd.s32 $0xBC00, s0;
	s11 =	sand.u32 $0x1, s6;
	s24 =	smul.u32 $0x50000, s10  }
0x8: {  	s0 =	sadd.s32 $0x84C00, s0;
	s13 =	smul.u32 $0x14000, s10;
	_ =	strace $0x8000004A  }
0x9: {  	[dreg:$0x4] =	wrdreg s7;
	s6 =	ssub.s32 $0x2, s11;
	s9 =	sshll.u32 s11, $0x4  }
0xa: {  	s21 =	smul.u32 $0x140000, s11;
	s8 =	sshrl.u32 s6, $0x1;
	s9 =	sor.u32 s10, s9  }
0xb: {  	s25 =	sshrl.u32 s24, $0x2;
	s14 =	sadd.s32 $0x4000, s13;
	s17 =	sadd.s32 $0x8000, s13  }
0xc: {  	s18 =	sadd.s32 $0xC000, s13;
	s19 =	sadd.s32 $0x10000, s13;
	s20 =	ssub.s32 s6, s8  }
0xd: {  	s6 =	sadd.s32 s25, s1;
	s7 =	sadd.s32 s14, s1;
	s12 =	smul.u32 $0x500, s9  }
0xe: {  	s8 =	sadd.s32 s17, s1;
	s15 =	smul.u32 $0x2800, s9;
	s9 =	sadd.s32 s18, s1  }
0xf: {  	s10 =	sadd.s32 s19, s1;
	s14 =	sadd.s32 s21, s14;
	s24 =	sadd.s32 s21, s17  }
0x10: {  	s25 =	sadd.s32 s21, s18;
	s23 =	sshrl.u32 s14, $0x3;
	s26 =	sadd.s32 s3, s12  }
0x11: {  	s16 =	sadd.s32 s5, s12;
	s15 =	sshrl.u32 s15, $0x3;
	[dreg:$0x5] =	wrdreg s26  }
0x12: {  	s20 =	smax.u32 s20, $0x1;
	[dreg:$0x6] =	wrdreg s16;
	s15 =	sadd.s32 $0x280, s15  }
0x13: {  	s16 =	sadd.s32 s13, s21;
	s26 =	sadd.s32 s21, s19;
	s21 =	simm.s32 $0x2800  }
0x14: {  	s3 =	sadd.s32 s3, s15;
	s22 =	sshrl.u32 s16, $0x3;
	s14 =	sadd.s32 s5, s15  }
0x15: {  	s16 =	sadd.s32 s0, s23;
	s5 =	sshrl.u32 s25, $0x3;
	s19 =	sshrl.u32 s26, $0x3  }
0x16: {  	s23 =	simm.s32 $0x1400;
	s25 =	simm.s32 $0x6800;
	s26 =	simm.s32 $0x1  }
0x17: {  	[dreg:$0x7] =	wrdreg s3;
	s15 =	sadd.s32 s0, s22;
	s3 =	sshrl.u32 s24, $0x3  }
0x18: {  	s18 =	sadd.s32 s0, s5;
	s19 =	sadd.s32 s0, s19;
	s22 =	simm.s32 $0x3  }
0x19: {  	s24 =	simm.s32 $0x80;
	s17 =	sadd.s32 s0, s3;
	s0 =	simm.s32 $0x0  }
.LBB2_1:
0x1a: {  	s3 =	rddreg [dreg:$0x4]  }
0x1b: {  	[tilespmem:s21], [sflag:$0x3] =	stream.linear.gather [hbm4b:s3+s2], $0x4000, $0x38;
	[tilespmem:$0x1E800] =	vst v63  }
0x1c: {  	_ =	swait.ge [sflag:s22], $0x4000  }
0x1d: {  	[sflag:s22] =	ssyncset.done $0x0  }
0x1e: {  	[sflag:s22] =	ssyncadd.s32 $0xFFFFC000  }
0x1f: {  	[spmem:s6] =	stream.linear.scatter [tilespmem:s21], [sflag:$0x3], $0x4000, $0x38;
	[tilespmem:$0x1E800] =	vst v63  }
0x20: {  	_ =	swait.ge [sflag:s22], $0x4000  }
0x21: {  	[sflag:s22] =	ssyncset.done $0x0  }
0x22: {  	[sflag:s22] =	ssyncadd.s32 $0xFFFFC000  }
0x23: {  	[spmem:s7] =	stream.linear.scatter [tilespmem:s21], [sflag:$0x3], $0x4000, $0x38;
	[tilespmem:$0x1E800] =	vst v63  }
0x24: {  	_ =	swait.ge [sflag:s22], $0x4000  }
0x25: {  	[sflag:s22] =	ssyncset.done $0x0  }
0x26: {  	[sflag:s22] =	ssyncadd.s32 $0xFFFFC000  }
0x27: {  	[spmem:s8] =	stream.linear.scatter [tilespmem:s21], [sflag:$0x3], $0x4000, $0x38;
	[tilespmem:$0x1E800] =	vst v63  }
0x28: {  	_ =	swait.ge [sflag:s22], $0x4000  }
0x29: {  	[sflag:s22] =	ssyncset.done $0x0  }
0x2a: {  	[sflag:s22] =	ssyncadd.s32 $0xFFFFC000  }
0x2b: {  	[spmem:s9] =	stream.linear.scatter [tilespmem:s21], [sflag:$0x3], $0x4000, $0x38;
	[tilespmem:$0x1E800] =	vst v63  }
0x2c: {  	_ =	swait.ge [sflag:s22], $0x4000  }
0x2d: {  	[sflag:s22] =	ssyncset.done $0x0  }
0x2e: {  	[sflag:s22] =	ssyncadd.s32 $0xFFFFC000  }
0x2f: {  	[spmem:s10] =	stream.linear.scatter [tilespmem:s21], [sflag:$0x3], $0x4000, $0x38;
	[tilespmem:$0x1E800] =	vst v63  }
0x30: {  	_ =	swait.ge [sflag:s22], $0x4000  }
0x31: {  	[sflag:s22] =	ssyncset.done $0x0  }
0x32: {  	[sflag:s22] =	ssyncadd.s32 $0xFFFFC000  }
0x33: {  	[bflag:$0x0] =	sbarrier.arrive $0xFFFF  }
0x34: {  	s12 =	rddreg [dreg:$0x5]  }
0x35: {  	[tilespmem:s2], [sflag:$0x3] =	stream.linear.gather [hbm4b:s12+s2], $0x1400, $0x38;
	[tilespmem:$0x1E800] =	vst v63  }
0x36: {  	_ =	swait.ge [sflag:s22], $0x1400  }
0x37: {  	[sflag:s22] =	ssyncset.done $0x0  }
0x38: {  	s13 =	rddreg [dreg:$0x6];
	[sflag:s22] =	ssyncadd.s32 $0xFFFFEC00  }
0x39: {  	[tilespmem:s23], [sflag:$0x3] =	stream.linear.gather [hbm4b:s13+s2], $0x1400, $0x38;
	[tilespmem:$0x1E800] =	vst v63  }
0x3a: {  	_ =	swait.ge [sflag:s22], $0x1400  }
0x3b: {  	[sflag:s22] =	ssyncset.done $0x0  }
0x3c: {  	[sflag:s22] =	ssyncadd.s32 $0xFFFFEC00  }
0x3d: {  	[tilespmem:s21], [sflag:$0x1] =	stream.indirect.gather [hbm4b:s4+s24], $0x80, s2, s24, $0xb8;
	[tilespmem:$0x1E800] =	vst v63  }
0x3e: {  	s5 =	simm.s32 $0x80  }
0x3f: {  	[tilespmem:s25], [sflag:$0x2] =	stream.indirect.gather [hbm4b:s4+s24], $0x80, s5, s24, $0xb8;
	[tilespmem:$0x1E800] =	vst v63  }
0x40: {  	_ =	swait.ge [sflag:s26], $0x4000  }
0x41: {  	[sflag:s26] =	ssyncset.done $0x0  }
0x42: {  	s11 =	simm.s32 $0x1400;
	[sflag:s26] =	ssyncadd.s32 $0xFFFFC000  }
0x43: {  	[spmem:s1] =	stream.indirect.scatter.add.f32 [tilespmem:s21], [sflag:$0x3], $0x80, s11, s24, $0xb8;
	[tilespmem:$0x1E800] =	vst v63  }
0x44: {  	_ =	swait.ge [sflag:s22], $0x4000  }
0x45: {  	[sflag:s22] =	ssyncset.done $0x0  }
0x46: {  	s12 =	simm.s32 $0x100;
	[sflag:s22] =	ssyncadd.s32 $0xFFFFC000  }
0x47: {  	[tilespmem:s21], [sflag:$0x1] =	stream.indirect.gather [hbm4b:s4+s24], $0x80, s12, s24, $0xb8;
	[tilespmem:$0x1E800] =	vst v63  }
0x48: {  	_ =	swait.ge [sflag:s28], $0x4000  }
0x49: {  	[sflag:s28] =	ssyncset.done $0x0  }
0x4a: {  	s13 =	simm.s32 $0x1480;
	[sflag:s28] =	ssyncadd.s32 $0xFFFFC000  }
0x4b: {  	[spmem:s1] =	stream.indirect.scatter.add.f32 [tilespmem:s25], [sflag:$0x3], $0x80, s13, s24, $0xb8;
	[tilespmem:$0x1E800] =	vst v63  }
0x4c: {  	_ =	swait.ge [sflag:s22], $0x4000  }
0x4d: {  	s3 =	simm.s32 $0x100;
	s5 =	simm.s32 $0x800;
	[sflag:s22] =	ssyncset.done $0x0  }
.LBB2_2:
0x4e: {  	s11 =	sadd.s32 $0x80, s3  }
0x4f: {  	[sflag:s22] =	ssyncadd.s32 $0xFFFFC000;
	s12 =	smov.u32 s5;
	s13 =	sadd.s32 $0x400, s5  }
0x50: {  	[tilespmem:s25], [sflag:$0x2] =	stream.indirect.gather [hbm4b:s4+s24], $0x80, s11, s24, $0xb8;
	[tilespmem:$0x1E800] =	vst v63  }
0x51: {  	p0 =	sne.s32 s5, $0x4800;
	_ =	swait.ge [sflag:s26], $0x4000  }
0x52: {  	[sflag:s26] =	ssyncset.done $0x0  }
0x53: {  	s5 =	sadd.s32 $0x1400, s3;
	[sflag:s26] =	ssyncadd.s32 $0xFFFFC000  }
0x54: {  	[spmem:s1] =	stream.indirect.scatter.add.f32 [tilespmem:s21], [sflag:$0x3], $0x80, s5, s24, $0xb8;
	[tilespmem:$0x1E800] =	vst v63  }
0x55: {  	_ =	swait.ge [sflag:s22], $0x4000  }
0x56: {  	[sflag:s22] =	ssyncset.done $0x0  }
0x57: {  	s5 =	sadd.s32 $0x100, s3;
	[sflag:s22] =	ssyncadd.s32 $0xFFFFC000  }
0x58: {  	[tilespmem:s21], [sflag:$0x1] =	stream.indirect.gather [hbm4b:s4+s24], $0x80, s5, s24, $0xb8;
	[tilespmem:$0x1E800] =	vst v63  }
0x59: {  	_ =	swait.ge [sflag:s28], $0x4000  }
.Ltmp0:
0x5a: {  	[sflag:s28] =	ssyncset.done $0x0;
	(pc) =	sbr.rel @p0 .LBB2_2-.Ltmp0, $4  }
0x5b: {  	s3 =	sadd.s32 $0x1480, s3;
	[sflag:s28] =	ssyncadd.s32 $0xFFFFC000  }
0x5c: {  	[spmem:s1] =	stream.indirect.scatter.add.f32 [tilespmem:s25], [sflag:$0x3], $0x80, s3, s24, $0xb8;
	[tilespmem:$0x1E800] =	vst v63  }
0x5d: {  	_ =	swait.ge [sflag:s22], $0x4000  }
0x5e: {  	s5 =	smov.u32 s13;
	s3 =	sshra.s32 s12, $0x2;
	[sflag:s22] =	ssyncset.done $0x0  }
0x5f: {  	s5 =	sadd.s32 $0x80, s3;
	[sflag:s22] =	ssyncadd.s32 $0xFFFFC000  }
0x60: {  	[tilespmem:s25], [sflag:$0x2] =	stream.indirect.gather [hbm4b:s4+s24], $0x80, s5, s24, $0xb8;
	[tilespmem:$0x1E800] =	vst v63  }
0x61: {  	_ =	swait.ge [sflag:s26], $0x4000  }
0x62: {  	[sflag:s26] =	ssyncset.done $0x0  }
0x63: {  	s12 =	sadd.s32 $0x1400, s3;
	[sflag:s26] =	ssyncadd.s32 $0xFFFFC000  }
0x64: {  	[spmem:s1] =	stream.indirect.scatter.add.f32 [tilespmem:s21], [sflag:$0x3], $0x80, s12, s24, $0xb8;
	[tilespmem:$0x1E800] =	vst v63  }
0x65: {  	_ =	swait.ge [sflag:s22], $0x4000  }
0x66: {  	[sflag:s22] =	ssyncset.done $0x0  }
0x67: {  	s13 =	sadd.s32 $0x100, s3;
	[sflag:s22] =	ssyncadd.s32 $0xFFFFC000  }
0x68: {  	[tilespmem:s21], [sflag:$0x1] =	stream.indirect.gather [hbm4b:s4+s24], $0x80, s13, s24, $0xb8;
	[tilespmem:$0x1E800] =	vst v63  }
0x69: {  	_ =	swait.ge [sflag:s28], $0x4000  }
0x6a: {  	[sflag:s28] =	ssyncset.done $0x0  }
0x6b: {  	s11 =	sadd.s32 $0x1480, s3;
	[sflag:s28] =	ssyncadd.s32 $0xFFFFC000  }
0x6c: {  	[spmem:s1] =	stream.indirect.scatter.add.f32 [tilespmem:s25], [sflag:$0x3], $0x80, s11, s24, $0xb8;
	[tilespmem:$0x1E800] =	vst v63  }
0x6d: {  	_ =	swait.ge [sflag:s22], $0x4000  }
0x6e: {  	[sflag:s22] =	ssyncset.done $0x0  }
0x6f: {  	[sflag:s22] =	ssyncadd.s32 $0xFFFFC000  }
0x70: {  	[tilespmem:s25], [sflag:$0x2] =	stream.indirect.gather [hbm4b:s4+s24], $0x80, s29, s24, $0xb8;
	[tilespmem:$0x1E800] =	vst v63  }
0x71: {  	_ =	swait.ge [sflag:s26], $0x4000  }
0x72: {  	[sflag:s26] =	ssyncset.done $0x0  }
0x73: {  	[sflag:s26] =	ssyncadd.s32 $0xFFFFC000  }
0x74: {  	[spmem:s1] =	stream.indirect.scatter.add.f32 [tilespmem:s21], [sflag:$0x3], $0x80, s30, s24, $0xb8;
	[tilespmem:$0x1E800] =	vst v63  }
0x75: {  	_ =	swait.ge [sflag:s22], $0x4000  }
0x76: {  	[sflag:s22] =	ssyncset.done $0x0  }
0x77: {  	[sflag:s22] =	ssyncadd.s32 $0xFFFFC000  }
0x78: {  	_ =	swait.ge [sflag:s28], $0x4000  }
0x79: {  	[sflag:s28] =	ssyncset.done $0x0  }
0x7a: {  	[sflag:s28] =	ssyncadd.s32 $0xFFFFC000  }
0x7b: {  	[spmem:s1] =	stream.indirect.scatter.add.f32 [tilespmem:s25], [sflag:$0x3], $0x80, s31, s24, $0xb8;
	[tilespmem:$0x1E800] =	vst v63  }
0x7c: {  	_ =	swait.ge [sflag:s22], $0x4000  }
0x7d: {  	[sflag:s22] =	ssyncset.done $0x0  }
0x7e: {  	s12 =	simm.s32 $0x0;
	s13 =	rddreg [dreg:$0x7];
	[sflag:s22] =	ssyncadd.s32 $0xFFFFC000  }
0x7f: {  	[tilespmem:s12], [sflag:$0x3] =	stream.linear.gather [hbm4b:s13+s12], $0x1400, $0x38;
	[tilespmem:$0x1E800] =	vst v63  }
0x80: {  	_ =	swait.ge [sflag:s22], $0x1400  }
0x81: {  	[sflag:s22] =	ssyncset.done $0x0  }
0x82: {  	[sflag:s22] =	ssyncadd.s32 $0xFFFFEC00  }
0x83: {  	[tilespmem:s23], [sflag:$0x3] =	stream.linear.gather [hbm4b:s14+s12], $0x1400, $0x38;
	[tilespmem:$0x1E800] =	vst v63  }
0x84: {  	_ =	swait.ge [sflag:s22], $0x1400  }
0x85: {  	[sflag:s22] =	ssyncset.done $0x0  }
0x86: {  	[sflag:s22] =	ssyncadd.s32 $0xFFFFEC00  }
0x87: {  	[tilespmem:s21], [sflag:$0x1] =	stream.indirect.gather [hbm4b:s4+s24], $0x80, s12, s24, $0xb8;
	[tilespmem:$0x1E800] =	vst v63  }
0x88: {  	s5 =	simm.s32 $0x80  }
0x89: {  	[tilespmem:s25], [sflag:$0x2] =	stream.indirect.gather [hbm4b:s4+s24], $0x80, s5, s24, $0xb8;
	[tilespmem:$0x1E800] =	vst v63  }
0x8a: {  	_ =	swait.ge [sflag:s26], $0x4000  }
0x8b: {  	[sflag:s26] =	ssyncset.done $0x0  }
0x8c: {  	s11 =	simm.s32 $0x1400;
	[sflag:s26] =	ssyncadd.s32 $0xFFFFC000  }
0x8d: {  	[spmem:s1] =	stream.indirect.scatter.add.f32 [tilespmem:s21], [sflag:$0x3], $0x80, s11, s24, $0xb8;
	[tilespmem:$0x1E800] =	vst v63  }
0x8e: {  	_ =	swait.ge [sflag:s22], $0x4000  }
0x8f: {  	[sflag:s22] =	ssyncset.done $0x0  }
0x90: {  	s12 =	simm.s32 $0x100;
	[sflag:s22] =	ssyncadd.s32 $0xFFFFC000  }
0x91: {  	[tilespmem:s21], [sflag:$0x1] =	stream.indirect.gather [hbm4b:s4+s24], $0x80, s12, s24, $0xb8;
	[tilespmem:$0x1E800] =	vst v63  }
0x92: {  	_ =	swait.ge [sflag:s28], $0x4000  }
0x93: {  	[sflag:s28] =	ssyncset.done $0x0  }
0x94: {  	s13 =	simm.s32 $0x1480;
	[sflag:s28] =	ssyncadd.s32 $0xFFFFC000  }
0x95: {  	[spmem:s1] =	stream.indirect.scatter.add.f32 [tilespmem:s25], [sflag:$0x3], $0x80, s13, s24, $0xb8;
	[tilespmem:$0x1E800] =	vst v63  }
0x96: {  	_ =	swait.ge [sflag:s22], $0x4000  }
0x97: {  	s3 =	simm.s32 $0x100;
	s5 =	simm.s32 $0x800;
	[sflag:s22] =	ssyncset.done $0x0  }
.LBB2_4:
0x98: {  	s11 =	sadd.s32 $0x80, s3  }
0x99: {  	[sflag:s22] =	ssyncadd.s32 $0xFFFFC000;
	s12 =	smov.u32 s5;
	s13 =	sadd.s32 $0x400, s5  }
0x9a: {  	[tilespmem:s25], [sflag:$0x2] =	stream.indirect.gather [hbm4b:s4+s24], $0x80, s11, s24, $0xb8;
	[tilespmem:$0x1E800] =	vst v63  }
0x9b: {  	p0 =	sne.s32 s5, $0x4800;
	_ =	swait.ge [sflag:s26], $0x4000  }
0x9c: {  	[sflag:s26] =	ssyncset.done $0x0  }
0x9d: {  	s5 =	sadd.s32 $0x1400, s3;
	[sflag:s26] =	ssyncadd.s32 $0xFFFFC000  }
0x9e: {  	[spmem:s1] =	stream.indirect.scatter.add.f32 [tilespmem:s21], [sflag:$0x3], $0x80, s5, s24, $0xb8;
	[tilespmem:$0x1E800] =	vst v63  }
0x9f: {  	_ =	swait.ge [sflag:s22], $0x4000  }
0xa0: {  	[sflag:s22] =	ssyncset.done $0x0  }
0xa1: {  	s5 =	sadd.s32 $0x100, s3;
	[sflag:s22] =	ssyncadd.s32 $0xFFFFC000  }
0xa2: {  	[tilespmem:s21], [sflag:$0x1] =	stream.indirect.gather [hbm4b:s4+s24], $0x80, s5, s24, $0xb8;
	[tilespmem:$0x1E800] =	vst v63  }
0xa3: {  	_ =	swait.ge [sflag:s28], $0x4000  }
.Ltmp1:
0xa4: {  	[sflag:s28] =	ssyncset.done $0x0;
	(pc) =	sbr.rel @p0 .LBB2_4-.Ltmp1, $4  }
0xa5: {  	s3 =	sadd.s32 $0x1480, s3;
	[sflag:s28] =	ssyncadd.s32 $0xFFFFC000  }
0xa6: {  	[spmem:s1] =	stream.indirect.scatter.add.f32 [tilespmem:s25], [sflag:$0x3], $0x80, s3, s24, $0xb8;
	[tilespmem:$0x1E800] =	vst v63  }
0xa7: {  	_ =	swait.ge [sflag:s22], $0x4000  }
0xa8: {  	s5 =	smov.u32 s13;
	s3 =	sshra.s32 s12, $0x2;
	[sflag:s22] =	ssyncset.done $0x0  }
0xa9: {  	s5 =	sadd.s32 $0x80, s3;
	[sflag:s22] =	ssyncadd.s32 $0xFFFFC000  }
0xaa: {  	[tilespmem:s25], [sflag:$0x2] =	stream.indirect.gather [hbm4b:s4+s24], $0x80, s5, s24, $0xb8;
	[tilespmem:$0x1E800] =	vst v63  }
0xab: {  	_ =	swait.ge [sflag:s26], $0x4000  }
0xac: {  	[sflag:s26] =	ssyncset.done $0x0  }
0xad: {  	s11 =	sadd.s32 $0x1400, s3;
	[sflag:s26] =	ssyncadd.s32 $0xFFFFC000  }
0xae: {  	[spmem:s1] =	stream.indirect.scatter.add.f32 [tilespmem:s21], [sflag:$0x3], $0x80, s11, s24, $0xb8;
	[tilespmem:$0x1E800] =	vst v63  }
0xaf: {  	_ =	swait.ge [sflag:s22], $0x4000  }
0xb0: {  	[sflag:s22] =	ssyncset.done $0x0  }
0xb1: {  	s12 =	sadd.s32 $0x100, s3;
	[sflag:s22] =	ssyncadd.s32 $0xFFFFC000  }
0xb2: {  	[tilespmem:s21], [sflag:$0x1] =	stream.indirect.gather [hbm4b:s4+s24], $0x80, s12, s24, $0xb8;
	[tilespmem:$0x1E800] =	vst v63  }
0xb3: {  	_ =	swait.ge [sflag:s28], $0x4000  }
0xb4: {  	[sflag:s28] =	ssyncset.done $0x0  }
0xb5: {  	s13 =	sadd.s32 $0x1480, s3;
	[sflag:s28] =	ssyncadd.s32 $0xFFFFC000  }
0xb6: {  	[spmem:s1] =	stream.indirect.scatter.add.f32 [tilespmem:s25], [sflag:$0x3], $0x80, s13, s24, $0xb8;
	[tilespmem:$0x1E800] =	vst v63  }
0xb7: {  	_ =	swait.ge [sflag:s22], $0x4000  }
0xb8: {  	[sflag:s22] =	ssyncset.done $0x0  }
0xb9: {  	[sflag:s22] =	ssyncadd.s32 $0xFFFFC000  }
0xba: {  	[tilespmem:s25], [sflag:$0x2] =	stream.indirect.gather [hbm4b:s4+s24], $0x80, s29, s24, $0xb8;
	[tilespmem:$0x1E800] =	vst v63  }
0xbb: {  	_ =	swait.ge [sflag:s26], $0x4000  }
0xbc: {  	[sflag:s26] =	ssyncset.done $0x0  }
0xbd: {  	[sflag:s26] =	ssyncadd.s32 $0xFFFFC000  }
0xbe: {  	[spmem:s1] =	stream.indirect.scatter.add.f32 [tilespmem:s21], [sflag:$0x3], $0x80, s30, s24, $0xb8;
	[tilespmem:$0x1E800] =	vst v63  }
0xbf: {  	_ =	swait.ge [sflag:s22], $0x4000  }
0xc0: {  	[sflag:s22] =	ssyncset.done $0x0  }
0xc1: {  	[sflag:s22] =	ssyncadd.s32 $0xFFFFC000  }
0xc2: {  	_ =	swait.ge [sflag:s28], $0x4000  }
0xc3: {  	[sflag:s28] =	ssyncset.done $0x0  }
0xc4: {  	[sflag:s28] =	ssyncadd.s32 $0xFFFFC000  }
0xc5: {  	[spmem:s1] =	stream.indirect.scatter.add.f32 [tilespmem:s25], [sflag:$0x3], $0x80, s31, s24, $0xb8;
	[tilespmem:$0x1E800] =	vst v63  }
0xc6: {  	_ =	swait.ge [sflag:s22], $0x4000  }
0xc7: {  	[sflag:s22] =	ssyncset.done $0x0  }
0xc8: {  	[sflag:s22] =	ssyncadd.s32 $0xFFFFC000  }
0xc9: {  	[bflag:$0x0] =	sbarrier.arrive $0xFFFF  }
0xca: {  	[tilespmem:s21], [sflag:$0x3] =	stream.linear.gather [spmem:s6], $0x4000, $0x38;
	[tilespmem:$0x1E800] =	vst v63  }
0xcb: {  	_ =	swait.ge [sflag:s22], $0x4000  }
0xcc: {  	[sflag:s22] =	ssyncset.done $0x0  }
0xcd: {  	[sflag:s22] =	ssyncadd.s32 $0xFFFFC000  }
0xce: {  	[hbm4b:s15+s2] =	stream.linear.scatter [tilespmem:s21], [sflag:$0x3], $0x4000, $0x38;
	[tilespmem:$0x1E800] =	vst v63  }
0xcf: {  	_ =	swait.ge [sflag:s22], $0x4000  }
0xd0: {  	[sflag:s22] =	ssyncset.done $0x0  }
0xd1: {  	[sflag:s22] =	ssyncadd.s32 $0xFFFFC000  }
0xd2: {  	[tilespmem:s21], [sflag:$0x3] =	stream.linear.gather [spmem:s7], $0x4000, $0x38;
	[tilespmem:$0x1E800] =	vst v63  }
0xd3: {  	_ =	swait.ge [sflag:s22], $0x4000  }
0xd4: {  	[sflag:s22] =	ssyncset.done $0x0  }
0xd5: {  	[sflag:s22] =	ssyncadd.s32 $0xFFFFC000  }
0xd6: {  	[hbm4b:s16+s2] =	stream.linear.scatter [tilespmem:s21], [sflag:$0x3], $0x4000, $0x38;
	[tilespmem:$0x1E800] =	vst v63  }
0xd7: {  	_ =	swait.ge [sflag:s22], $0x4000  }
0xd8: {  	[sflag:s22] =	ssyncset.done $0x0  }
0xd9: {  	[sflag:s22] =	ssyncadd.s32 $0xFFFFC000  }
0xda: {  	[tilespmem:s21], [sflag:$0x3] =	stream.linear.gather [spmem:s8], $0x4000, $0x38;
	[tilespmem:$0x1E800] =	vst v63  }
0xdb: {  	_ =	swait.ge [sflag:s22], $0x4000  }
0xdc: {  	[sflag:s22] =	ssyncset.done $0x0  }
0xdd: {  	[sflag:s22] =	ssyncadd.s32 $0xFFFFC000  }
0xde: {  	[hbm4b:s17+s2] =	stream.linear.scatter [tilespmem:s21], [sflag:$0x3], $0x4000, $0x38;
	[tilespmem:$0x1E800] =	vst v63  }
0xdf: {  	_ =	swait.ge [sflag:s22], $0x4000  }
0xe0: {  	[sflag:s22] =	ssyncset.done $0x0  }
0xe1: {  	[sflag:s22] =	ssyncadd.s32 $0xFFFFC000  }
0xe2: {  	[tilespmem:s21], [sflag:$0x3] =	stream.linear.gather [spmem:s9], $0x4000, $0x38;
	[tilespmem:$0x1E800] =	vst v63  }
0xe3: {  	_ =	swait.ge [sflag:s22], $0x4000  }
0xe4: {  	[sflag:s22] =	ssyncset.done $0x0  }
0xe5: {  	[sflag:s22] =	ssyncadd.s32 $0xFFFFC000  }
0xe6: {  	[hbm4b:s18+s2] =	stream.linear.scatter [tilespmem:s21], [sflag:$0x3], $0x4000, $0x38;
	[tilespmem:$0x1E800] =	vst v63  }
0xe7: {  	_ =	swait.ge [sflag:s22], $0x4000  }
0xe8: {  	[sflag:s22] =	ssyncset.done $0x0  }
0xe9: {  	[sflag:s22] =	ssyncadd.s32 $0xFFFFC000  }
0xea: {  	[tilespmem:s21], [sflag:$0x3] =	stream.linear.gather [spmem:s10], $0x4000, $0x38;
	[tilespmem:$0x1E800] =	vst v63  }
0xeb: {  	s0 =	sadd.s32 $0x1, s0;
	_ =	swait.ge [sflag:s22], $0x4000  }
0xec: {  	p0 =	sne.s32 s0, s20;
	[sflag:s22] =	ssyncset.done $0x0  }
.Ltmp2:
0xed: {  	[sflag:s22] =	ssyncadd.s32 $0xFFFFC000;
	(pc) =	sbr.rel @p0 .LBB2_1-.Ltmp2, $4  }
0xee: {  	[hbm4b:s19+s2] =	stream.linear.scatter [tilespmem:s21], [sflag:$0x3], $0x4000, $0x38;
	[tilespmem:$0x1E800] =	vst v63  }
0xef: {  	_ =	swait.ge [sflag:s22], $0x4000  }
0xf0: {  	[sflag:s22] =	ssyncset.done $0x0  }
0xf1: {  	[sflag:s22] =	ssyncadd.s32 $0xFFFFC000  }
0xf2: {  	_ =	sfence.sel $0x180000  }
0xf3: {  	[bflag:$0x0] =	sbarrier.arrive $0xFFFF  }
0xf4: {  	_ =	strace $0x9000004A  }
0xf5: {  	s0 =	stileid.u32;
	[bflag:$0x2] =	sbarrier.arrive $0xFFFF  }
0xf6: {  	p0 =	sne.s32 s0, $0x0;
	s0 =	rddreg [dreg:$0x3]  }
0xf7: {  	s0 =	sadd.s32 @!p0 $0x100000, s0  }
0xf8: {  	[sflag:s0] =	ssyncadd.tile.s32 @!p0 $0x1;
	_ =	shalt  }
.Lfunc_end2:
_tile_overlayer_lowered:
.L_overlay_start_2:
0xf9: {  	(tag) =	ssettag $0x2  }
0xfa: {  	s0 =	rddreg [dreg:$0x0];
	s2 =	stileid.u32  }
0xfb: {  	s1 =	rddreg [dreg:$0x1];
	p0 =	sne.s32 s2, $0x0  }
0xfc: {  	s3 =	rddreg [dreg:$0x2];
	[bflag:$0x3] =	sbarrier.arrive $0xFFFF;
	s2 =	simm.s32 @!p0 $0x1C03  }
0xfd: {  	[timem:s3], [sflag:s2] =	dma.local @!p0 [hbm:s0], s1  }
0xfe: {  	s0 =	simm.s32 @!p0 $0x3  }
0xff: {  	_ =	swait.ge @!p0 [sflag:s0], s1  }
0x100: {  	s1 =	ssub.s32 @!p0 $0x0, s1;
	[sflag:s0] =	ssyncset.done @!p0 $0x0  }
0x101: {  	[sflag:s0] =	ssyncadd.s32 @!p0 s1  }
0x102: {  	[bflag:$0x3] =	sbarrier.arrive $0xFFFF  }
0x103: {  	_ =	shalt  }

</sc_bundles>
